<compile_context>
chip_gen: v7x
topology: tpu7x:2x2x1
jax: 0.10.2.dev20260603
libtpu: 0.0.44.dev20260713+nightly
codegen_flags: <defaults>
</compile_context>

<pallas_src>
import functools
import jax
import jax.numpy as jnp
from jax import lax
from jax.experimental import pallas as pl
from jax.experimental.pallas import tpu as pltpu
from jax.experimental.pallas import tpu_sc as plsc

N2 = 128
H = 64
LANES = 16
GW = H + LANES


def _sp2(x):
    return jnp.maximum(x, 0.0) + jnp.log1p(jnp.exp(-jnp.abs(x))) - jnp.log(2.0).astype(x.dtype)



def _edge_mlp_body(ef_ref, w1_ref, b1_ref, w2_ref, b2_ref, wc_ref, cst_ref, out_ref):
    h = _sp2(jnp.dot(ef_ref[...], w1_ref[...], preferred_element_type=jnp.float32) + b1_ref[...])
    e = _sp2(jnp.dot(h, w2_ref[...], preferred_element_type=jnp.float32) + b2_ref[...])
    out_ref[...] = jnp.dot(e, wc_ref[...], preferred_element_type=jnp.float32) + cst_ref[...]


def _edge_mlp(ef0, w1, b1, w2, b2, wc, cst, block):
    E = ef0.shape[0]
    n1 = w1.shape[1]
    grid = (E // block,)
    return pl.pallas_call(
        _edge_mlp_body,
        grid=grid,
        in_specs=[
            pl.BlockSpec((block, N2), lambda i: (i, 0)),
            pl.BlockSpec((N2, n1), lambda i: (0, 0)),
            pl.BlockSpec((1, n1), lambda i: (0, 0)),
            pl.BlockSpec((n1, N2), lambda i: (0, 0)),
            pl.BlockSpec((1, N2), lambda i: (0, 0)),
            pl.BlockSpec((N2, N2), lambda i: (0, 0)),
            pl.BlockSpec((1, N2), lambda i: (0, 0)),
        ],
        out_specs=pl.BlockSpec((block, N2), lambda i: (i, 0)),
        out_shape=jax.ShapeDtypeStruct((E, N2), jnp.float32),
    )(ef0, w1, b1, w2, b2, wc, cst)



def _node_mlp_body(nf_ref, w1_ref, b1_ref, w2_ref, b2_ref, wa_ref, wb_ref,
                   nf_out_ref, pa_ref, pb_ref):
    h = _sp2(jnp.dot(nf_ref[...], w1_ref[...], preferred_element_type=jnp.float32) + b1_ref[...])
    nf = _sp2(jnp.dot(h, w2_ref[...], preferred_element_type=jnp.float32) + b2_ref[...])
    nf_out_ref[...] = nf
    pa = jnp.dot(nf, wa_ref[...], preferred_element_type=jnp.float32)
    pb = jnp.dot(nf, wb_ref[...], preferred_element_type=jnp.float32)
    pa_ref[0] = pa[:, :H]
    pa_ref[1] = pa[:, H:]
    pb_ref[0] = pb[:, :H]
    pb_ref[1] = pb[:, H:]


def _node_mlp(nf0, w1, b1, w2, b2, wa, wb, block):
    N = nf0.shape[0]
    n1 = w1.shape[1]
    grid = (N // block,)
    blk = pl.BlockSpec((block, N2), lambda i: (i, 0))
    hblk = pl.BlockSpec((2, block, H), lambda i: (0, i, 0))
    return pl.pallas_call(
        _node_mlp_body,
        grid=grid,
        in_specs=[
            blk,
            pl.BlockSpec((N2, n1), lambda i: (0, 0)),
            pl.BlockSpec((1, n1), lambda i: (0, 0)),
            pl.BlockSpec((n1, N2), lambda i: (0, 0)),
            pl.BlockSpec((1, N2), lambda i: (0, 0)),
            pl.BlockSpec((N2, N2), lambda i: (0, 0)),
            pl.BlockSpec((N2, N2), lambda i: (0, 0)),
        ],
        out_specs=[blk, hblk, hblk],
        out_shape=[jax.ShapeDtypeStruct((N, N2), jnp.float32),
                   jax.ShapeDtypeStruct((2, N, H), jnp.float32),
                   jax.ShapeDtypeStruct((2, N, H), jnp.float32)],
    )(nf0, w1, b1, w2, b2, wa, wb)



def _sc_edge_kernel(N, E, sidx, didx, pa, pb, qc, ef0):
    NC, NS = 2, 16
    EPT = E // NS
    C = 80
    NCHUNK = EPT // C
    ZR = 80
    NRB = N // ZR
    mesh = plsc.VectorSubcoreMesh(core_axis_name="c", subcore_axis_name="s",
                                  num_cores=NC, num_subcores=NS)

    @functools.partial(
        pl.kernel,
        mesh=mesh,
        out_type=[
            jax.ShapeDtypeStruct((E, N2), jnp.float32),
            jax.ShapeDtypeStruct((NC, N, N2), jnp.float32),
        ],
        scratch_types=[
            pltpu.VMEM((C,), jnp.int32),
            pltpu.VMEM((C,), jnp.int32),
            pltpu.VMEM((C,), jnp.int32),
            pltpu.VMEM((C,), jnp.int32),
            pltpu.VMEM((C, H), jnp.float32),
            pltpu.VMEM((C, H), jnp.float32),
            pltpu.VMEM((C, H), jnp.float32),
            pltpu.VMEM((C, H), jnp.float32),
            pltpu.VMEM((C, H), jnp.float32),
            pltpu.VMEM((C, H), jnp.float32),
            pltpu.VMEM((C, H), jnp.float32),
            pltpu.VMEM((C, GW), jnp.float32),
            pltpu.VMEM((C, GW), jnp.float32),
            pltpu.VMEM((ZR, GW), jnp.float32),
            pltpu.VMEM_SHARED((N, GW), jnp.float32),
            pltpu.SemaphoreType.DMA,
        ],
        compiler_params=pltpu.CompilerParams(use_tc_tiling_on_sc=False),
    )
    def k(sidx_h, didx_h, pa_h, pb_h, qc_h, ef0_h, efout_h, gout_h,
          sbuf, dbuf, sadj, dadj, pa_s, pa_d, pb_s, pb_d, qcv, ef0b, efo,
          fwd, bwd, zbuf, gacc, sem):
        cid = lax.axis_index("c")
        sid = lax.axis_index("s")
        col = cid * H
        roff = jnp.broadcast_to(cid * N, (LANES,)).astype(jnp.int32)

        zero = jnp.zeros((LANES,), jnp.float32)
        one0 = jnp.where(lax.iota(jnp.int32, LANES) == 0,
                         jnp.float32(1.0), jnp.float32(0.0))

        def zb(r, _):
            for cc in range(GW // LANES):
                zbuf[r, pl.ds(cc * LANES, LANES)] = zero
            return 0
        lax.fori_loop(0, ZR, zb, 0)

        for kk in range((NRB + NS - 1) // NS):
            b = sid + kk * NS

            @pl.when(b < NRB)
            def _():
                pltpu.sync_copy(zbuf, gacc.at[pl.ds(b * ZR, ZR)])

        def init_pay(r, _):
            fwd[r, pl.ds(H, LANES)] = one0
            bwd[r, pl.ds(H, LANES)] = one0
            return 0
        lax.fori_loop(0, C, init_pay, 0)

        plsc.subcore_barrier()

        def chunk(ci, _):
            base = sid * EPT + ci * C
            pltpu.sync_copy(sidx_h.at[pl.ds(base, C)], sbuf)
            pltpu.sync_copy(didx_h.at[pl.ds(base, C)], dbuf)

            def adj(j, _):
                sl = pl.ds(j * LANES, LANES)
                sadj[sl] = sbuf[sl] + roff
                dadj[sl] = dbuf[sl] + roff
                return 0
            lax.fori_loop(0, C // LANES, adj, 0)

            cps = [
                pltpu.async_copy(pa_h.at[sadj], pa_s, sem),
                pltpu.async_copy(pa_h.at[dadj], pa_d, sem),
                pltpu.async_copy(pb_h.at[sadj], pb_s, sem),
                pltpu.async_copy(pb_h.at[dadj], pb_d, sem),
                pltpu.async_copy(qc_h.at[pl.ds(base, C), pl.ds(col, H)], qcv, sem),
                pltpu.async_copy(ef0_h.at[pl.ds(base, C), pl.ds(col, H)], ef0b, sem),
            ]
            for cp in cps:
                cp.wait()

            def row(r, _):
                for cc in range(H // LANES):
                    sl = pl.ds(cc * LANES, LANES)
                    q = qcv[r, sl]
                    f = pa_s[r, sl] + pb_d[r, sl] + q
                    b = pa_d[r, sl] + pb_s[r, sl] + q
                    fwd[r, sl] = f
                    bwd[r, sl] = b
                    efo[r, sl] = (f + b) * 0.5 + ef0b[r, sl]
                return 0
            lax.fori_loop(0, C, row, 0)

            pltpu.sync_copy(fwd, gacc.at[dbuf], add=True)
            pltpu.sync_copy(bwd, gacc.at[sbuf], add=True)
            pltpu.sync_copy(efo, efout_h.at[pl.ds(base, C), pl.ds(col, H)])
            return 0
        lax.fori_loop(0, NCHUNK, chunk, 0)

        plsc.subcore_barrier()

        for kk in range((NRB + NS - 1) // NS):
            b = sid + kk * NS

            @pl.when(b < NRB)
            def _():
                pltpu.sync_copy(gacc.at[pl.ds(b * ZR, ZR)],
                                gout_h.at[cid, pl.ds(b * ZR, ZR), pl.ds(0, GW)])

    return k(sidx, didx, pa, pb, qc, ef0)



def _node_update_body(g0_ref, g1_ref, nf_ref, nf0_ref, wn1_ref, wn2_ref, cstn_ref,
                      out_ref, accn_ref, accg_ref):
    g0 = g0_ref[0]
    g1 = g1_ref[0]
    sums = jnp.concatenate([g0[:, :H], g1[:, :H]], axis=1)
    deg = g0[:, H:H + 1]
    efm = sums / jnp.maximum(deg, 1.0)
    nf_new = (jnp.dot(nf_ref[...], wn1_ref[...], preferred_element_type=jnp.float32)
              + jnp.dot(efm, wn2_ref[...], preferred_element_type=jnp.float32)
              + cstn_ref[...])
    out_ref[...] = nf_new + nf0_ref[...]

    @pl.when(pl.program_id(0) == 0)
    def _():
        accn_ref[...] = jnp.zeros_like(accn_ref)
        accg_ref[...] = jnp.zeros_like(accg_ref)
    accn_ref[...] += jnp.sum(nf_new, axis=0, keepdims=True)
    accg_ref[...] += jnp.sum(sums, axis=0, keepdims=True)


def _node_update(gparts, nf, nf0, wn1, wn2, cstn, block):
    N = nf.shape[0]
    grid = (N // block,)
    blk = pl.BlockSpec((block, N2), lambda i: (i, 0))
    gblk0 = pl.BlockSpec((1, block, N2), lambda i: (0, i, 0))
    gblk1 = pl.BlockSpec((1, block, N2), lambda i: (1, i, 0))
    return pl.pallas_call(
        _node_update_body,
        grid=grid,
        in_specs=[
            gblk0, gblk1, blk, blk,
            pl.BlockSpec((N2, N2), lambda i: (0, 0)),
            pl.BlockSpec((N2, N2), lambda i: (0, 0)),
            pl.BlockSpec((1, N2), lambda i: (0, 0)),
        ],
        out_specs=[blk,
                   pl.BlockSpec((1, N2), lambda i: (0, 0)),
                   pl.BlockSpec((1, N2), lambda i: (0, 0))],
        out_shape=[jax.ShapeDtypeStruct((N, N2), jnp.float32),
                   jax.ShapeDtypeStruct((1, N2), jnp.float32),
                   jax.ShapeDtypeStruct((1, N2), jnp.float32)],
    )(gparts, gparts, nf, nf0, wn1, wn2, cstn)



def kernel(node_features, edge_index, edge_features, global_features,
           ed_w1, ed_b1, ed_w2, ed_b2,
           nd_w1, nd_b1, nd_w2, nd_b2,
           gd_w1, gd_b1, gd_w2, gd_b2,
           em_w, em_b, nm_w, nm_b, gm_w, gm_b):
    N = node_features.shape[0]
    E = edge_features.shape[0]
    nf0, ef0, gf0 = node_features, edge_features, global_features

    Wa, Wb, Wc, Wd = em_w[:N2], em_w[N2:2 * N2], em_w[2 * N2:3 * N2], em_w[3 * N2:]
    Wn1, Wn2, Wn3 = nm_w[:N2], nm_w[N2:2 * N2], nm_w[2 * N2:]
    Wg1, Wg2, Wg3 = gm_w[:N2], gm_w[N2:2 * N2], gm_w[2 * N2:]

    gf = _sp2(_sp2(gf0 @ gd_w1 + gd_b1) @ gd_w2 + gd_b2)
    cst_e = gf @ Wd + em_b.reshape(1, N2)
    cst_n = gf @ Wn3 + nm_b.reshape(1, N2)

    qc = _edge_mlp(ef0, ed_w1, ed_b1.reshape(1, -1), ed_w2, ed_b2.reshape(1, -1),
                   Wc, cst_e, block=2000)
    nf, pa, pb = _node_mlp(nf0, nd_w1, nd_b1.reshape(1, -1), nd_w2,
                           nd_b2.reshape(1, -1), Wa, Wb, block=2000)

    ef_out, gparts = _sc_edge_kernel(N, E, edge_index[0], edge_index[1],
                                     pa.reshape(2 * N, H), pb.reshape(2 * N, H),
                                     qc, ef0)

    nf_out, sum_nfnew, sum_g = _node_update(gparts, nf, nf0, Wn1, Wn2, cst_n,
                                            block=2000)

    e_mean = sum_g / (2.0 * E)
    n_mean = sum_nfnew / N
    gf_out = e_mean @ Wg1 + n_mean @ Wg2 + gf @ Wg3 + gm_b.reshape(1, N2) + gf0
    return (nf_out, ef_out, gf_out)

# --- scband reference (transcript-rebuilt; emitter-appended) ---
"""Pipeline reference for scband-megnet-block-20194936226691 (READ-ONLY COPY).

The authoritative reference and input builder live on the scoring server;
editing this copy changes nothing except your own understanding.
"""

import jax, jax.numpy as jnp
import numpy as np


def _softplus2(x):
    return jax.nn.softplus(x) - jnp.log(2.0).astype(x.dtype)


def _scatter_mean(src, index, dim_size):
    s = jax.ops.segment_sum(src, index, num_segments=dim_size)
    cnt = jax.ops.segment_sum(jnp.ones((src.shape[0],), src.dtype), index, num_segments=dim_size)
    return s / jnp.clip(cnt, 1.0)[:, None]


def setup_inputs(seed: int = 0) -> dict:
    key = jax.random.key(seed)
    N, E, n1, n2 = 10000, 320000, 64, 128
    keys = iter(jax.random.split(key, 32))

    def nrm(shape, scale=0.05):
        return jax.random.normal(next(keys), shape, jnp.float32) * scale

    inp = {}
    inp['node_features'] = jax.random.normal(next(keys), (N, n2), jnp.float32)
    inp['edge_index'] = jax.random.randint(next(keys), (2, E), 0, N, dtype=jnp.int32)
    inp['edge_features'] = jax.random.normal(next(keys), (E, n2), jnp.float32)
    inp['global_features'] = jax.random.normal(next(keys), (1, n2), jnp.float32)
    inp['ed_w1'] = nrm((n2, n1)); inp['ed_b1'] = jnp.zeros((n1,), jnp.float32)
    inp['ed_w2'] = nrm((n1, n2)); inp['ed_b2'] = jnp.zeros((n2,), jnp.float32)
    inp['nd_w1'] = nrm((n2, n1)); inp['nd_b1'] = jnp.zeros((n1,), jnp.float32)
    inp['nd_w2'] = nrm((n1, n2)); inp['nd_b2'] = jnp.zeros((n2,), jnp.float32)
    inp['gd_w1'] = nrm((n2, n1)); inp['gd_b1'] = jnp.zeros((n1,), jnp.float32)
    inp['gd_w2'] = nrm((n1, n2)); inp['gd_b2'] = jnp.zeros((n2,), jnp.float32)
    inp['em_w'] = nrm((4 * n2, n2)); inp['em_b'] = jnp.zeros((n2,), jnp.float32)
    inp['nm_w'] = nrm((3 * n2, n2)); inp['nm_b'] = jnp.zeros((n2,), jnp.float32)
    inp['gm_w'] = nrm((3 * n2, n2)); inp['gm_b'] = jnp.zeros((n2,), jnp.float32)
    return inp


def reference(node_features, edge_index, edge_features, global_features,
              ed_w1, ed_b1, ed_w2, ed_b2,
              nd_w1, nd_b1, nd_w2, nd_b2,
              gd_w1, gd_b1, gd_w2, gd_b2,
              em_w, em_b, nm_w, nm_b, gm_w, gm_b):
    N = node_features.shape[0]
    E = edge_features.shape[0]
    B = global_features.shape[0]
    batch = jnp.zeros((N,), jnp.int32)
    nf0, ef0, gf0 = node_features, edge_features, global_features
    # dense pre-blocks
    ef = _softplus2(_softplus2(edge_features @ ed_w1 + ed_b1) @ ed_w2 + ed_b2)
    nf = _softplus2(_softplus2(node_features @ nd_w1 + nd_b1) @ nd_w2 + nd_b2)
    gf = _softplus2(_softplus2(global_features @ gd_w1 + gd_b1) @ gd_w2 + gd_b2)
    # undirected: double edges
    ei = jnp.concatenate([edge_index, edge_index[::-1, :]], axis=1)
    ef2 = jnp.concatenate([ef, ef], axis=0)
    src = ei[0]
    dst = ei[1]
    ebm = batch[src]
    # edge update
    ef2 = jnp.concatenate([nf[src], nf[dst], ef2, gf[ebm]], axis=1) @ em_w + em_b
    # node update
    efm = _scatter_mean(ef2, dst, N)
    nf = jnp.concatenate([nf, efm, gf[batch]], axis=1) @ nm_w + nm_b
    # global update
    e_mean = _scatter_mean(ef2, ebm, B)
    n_mean = _scatter_mean(nf, batch, B)
    gf = jnp.concatenate([e_mean, n_mean, gf], axis=1) @ gm_w + gm_b
    # undirected: fold back
    ef = (ef2[:E] + ef2[E:]) / 2.0
    # residual
    return (nf + nf0, ef + ef0, gf + gf0)

if __name__ == "__main__":
    import jax
    _d = setup_inputs()
    print(jax.jit(kernel)(*tuple(_d.values())))

</pallas_src>

<mosaic_0001>
#map = affine_map<(d0, d1) -> (0)>
#map1 = affine_map<(d0, d1) -> (0, 0)>
#map2 = affine_map<(d0, d1) -> (0, 0, 0)>
module attributes {stable_mosaic.version = 14 : i64} {
  func.func @k(%arg0: i32, %arg1: i32, %arg2: memref<320000xi32, #tpu.memory_space<hbm>>, %arg3: memref<320000xi32, #tpu.memory_space<hbm>>, %arg4: memref<20000x64xf32, #tpu.memory_space<hbm>>, %arg5: memref<20000x64xf32, #tpu.memory_space<hbm>>, %arg6: memref<320000x128xf32, #tpu.memory_space<hbm>>, %arg7: memref<320000x128xf32, #tpu.memory_space<hbm>>, %arg8: memref<320000x128xf32, #tpu.memory_space<hbm>>, %arg9: memref<2x10000x128xf32, #tpu.memory_space<hbm>>, %arg10: memref<80xi32, #tpu.memory_space<vmem>>, %arg11: memref<80xi32, #tpu.memory_space<vmem>>, %arg12: memref<80xi32, #tpu.memory_space<vmem>>, %arg13: memref<80xi32, #tpu.memory_space<vmem>>, %arg14: memref<80x64xf32, #tpu.memory_space<vmem>>, %arg15: memref<80x64xf32, #tpu.memory_space<vmem>>, %arg16: memref<80x64xf32, #tpu.memory_space<vmem>>, %arg17: memref<80x64xf32, #tpu.memory_space<vmem>>, %arg18: memref<80x64xf32, #tpu.memory_space<vmem>>, %arg19: memref<80x64xf32, #tpu.memory_space<vmem>>, %arg20: memref<80x64xf32, #tpu.memory_space<vmem>>, %arg21: memref<80x80xf32, #tpu.memory_space<vmem>>, %arg22: memref<80x80xf32, #tpu.memory_space<vmem>>, %arg23: memref<80x80xf32, #tpu.memory_space<vmem>>, %arg24: memref<10000x80xf32, #tpu.memory_space<vmem_shared>>, %arg25: memref<!tpu.dma_semaphore, #tpu.memory_space<semaphore_mem>>) attributes {dimension_semantics = [#tpu.dimension_semantics<core_parallel>, #tpu.dimension_semantics<subcore_parallel>], iteration_bounds = array<i64: 2, 16>, scalar_prefetch = 0 : i64, scratch_operands = 16 : i64, tpu.core_type = #tpu.core_type<sc_vector_subcore>, window_params = [{transform_indices = #map}, {transform_indices = #map}, {transform_indices = #map1}, {transform_indices = #map1}, {transform_indices = #map1}, {transform_indices = #map1}, {transform_indices = #map1}, {transform_indices = #map2}]} {
    %mul3A = arith.constant 64 : i32
    %mul3A_0 = arith.muli %arg0, %mul3A : i32
    %mul3A_1 = arith.constant 10000 : i32
    %mul3A_2 = arith.muli %arg0, %mul3A_1 : i32
    %broadcast_in_dim3A = vector.broadcast %mul3A_2 : i32 to vector<16xi32>
    %broadcast_in_dim3A_3 = arith.constant 0.000000e+00 : f32
    %broadcast_in_dim3A_4 = vector.broadcast %broadcast_in_dim3A_3 : f32 to vector<16xf32>
    %iota3A = tpu.iota {dimensions = array<i32: 0>} : vector<16xi32>
    %eq3A = arith.constant 0 : i32
    %eq3A_5 = vector.broadcast %eq3A : i32 to vector<16xi32>
    %eq3A_6 = arith.cmpi eq, %iota3A, %eq3A_5 : vector<16xi32>
    %jit3A = arith.constant 1.000000e+00 : f32
    %jit3A_7 = arith.constant 0.000000e+00 : f32
    %broadcast_in_dim3A_8 = vector.broadcast %jit3A : f32 to vector<16xf32>
    %broadcast_in_dim3A_9 = vector.broadcast %jit3A_7 : f32 to vector<16xf32>
    %select_n3A = arith.select %eq3A_6, %broadcast_in_dim3A_8, %broadcast_in_dim3A_9 : vector<16xi1>, vector<16xf32>
    %scan3A = arith.constant 0 : i32
    %scan3A_10 = arith.constant 0 : i32
    %scan3A_11 = arith.constant 80 : i32
    %scan3A_12 = arith.addi %scan3A_10, %scan3A_11 : i32
    %scan3A_13 = arith.constant 1 : i32
    %scan3A_14 = scf.for %scan3A_139 = %scan3A_10 to %scan3A_12 step %scan3A_13 iter_args(%scan3A_140 = %scan3A) -> (i32)  : i32 {
      %swap3A = arith.index_cast %scan3A_139 : i32 to index
      %swap3A_141 = arith.constant 0 : index
      %swap3A_142 = tpu.vector_load %arg23[%swap3A, %swap3A_141] {strides = array<i32>} : memref<80x80xf32, #tpu.memory_space<vmem>>, vector<1x16xf32>,
      %swap3A_143 = vector.shape_cast %swap3A_142 : vector<1x16xf32> to vector<16xf32>
      %swap3A_144 = vector.shape_cast %broadcast_in_dim3A_4 : vector<16xf32> to vector<1x16xf32>
      tpu.vector_store %arg23[%swap3A, %swap3A_141], %swap3A_144 {strides = array<i32>} : memref<80x80xf32, #tpu.memory_space<vmem>>, vector<1x16xf32>,
      %swap3A_145 = arith.index_cast %scan3A_139 : i32 to index
      %swap3A_146 = arith.constant 16 : index
      %swap3A_147 = tpu.vector_load %arg23[%swap3A_145, %swap3A_146] {strides = array<i32>} : memref<80x80xf32, #tpu.memory_space<vmem>>, vector<1x16xf32>,
      %swap3A_148 = vector.shape_cast %swap3A_147 : vector<1x16xf32> to vector<16xf32>
      %swap3A_149 = vector.shape_cast %broadcast_in_dim3A_4 : vector<16xf32> to vector<1x16xf32>
      tpu.vector_store %arg23[%swap3A_145, %swap3A_146], %swap3A_149 {strides = array<i32>} : memref<80x80xf32, #tpu.memory_space<vmem>>, vector<1x16xf32>,
      %swap3A_150 = arith.index_cast %scan3A_139 : i32 to index
      %swap3A_151 = arith.constant 32 : index
      %swap3A_152 = tpu.vector_load %arg23[%swap3A_150, %swap3A_151] {strides = array<i32>} : memref<80x80xf32, #tpu.memory_space<vmem>>, vector<1x16xf32>,
      %swap3A_153 = vector.shape_cast %swap3A_152 : vector<1x16xf32> to vector<16xf32>
      %swap3A_154 = vector.shape_cast %broadcast_in_dim3A_4 : vector<16xf32> to vector<1x16xf32>
      tpu.vector_store %arg23[%swap3A_150, %swap3A_151], %swap3A_154 {strides = array<i32>} : memref<80x80xf32, #tpu.memory_space<vmem>>, vector<1x16xf32>,
      %swap3A_155 = arith.index_cast %scan3A_139 : i32 to index
      %swap3A_156 = arith.constant 48 : index
      %swap3A_157 = tpu.vector_load %arg23[%swap3A_155, %swap3A_156] {strides = array<i32>} : memref<80x80xf32, #tpu.memory_space<vmem>>, vector<1x16xf32>,
      %swap3A_158 = vector.shape_cast %swap3A_157 : vector<1x16xf32> to vector<16xf32>
      %swap3A_159 = vector.shape_cast %broadcast_in_dim3A_4 : vector<16xf32> to vector<1x16xf32>
      tpu.vector_store %arg23[%swap3A_155, %swap3A_156], %swap3A_159 {strides = array<i32>} : memref<80x80xf32, #tpu.memory_space<vmem>>, vector<1x16xf32>,
      %swap3A_160 = arith.index_cast %scan3A_139 : i32 to index
      %swap3A_161 = arith.constant 64 : index
      %swap3A_162 = tpu.vector_load %arg23[%swap3A_160, %swap3A_161] {strides = array<i32>} : memref<80x80xf32, #tpu.memory_space<vmem>>, vector<1x16xf32>,
      %swap3A_163 = vector.shape_cast %swap3A_162 : vector<1x16xf32> to vector<16xf32>
      %swap3A_164 = vector.shape_cast %broadcast_in_dim3A_4 : vector<16xf32> to vector<1x16xf32>
      tpu.vector_store %arg23[%swap3A_160, %swap3A_161], %swap3A_164 {strides = array<i32>} : memref<80x80xf32, #tpu.memory_space<vmem>>, vector<1x16xf32>,
      %scan3A_165 = arith.constant 0 : i32
      scf.yield %scan3A_165 : i32
    }
    %scan3A_15 = arith.constant 80 : i32
    %add3A = arith.constant 0 : i32
    %add3A_16 = arith.addi %arg1, %add3A : i32
    %lt3A = arith.constant 125 : i32
    %lt3A_17 = arith.cmpi slt, %add3A_16, %lt3A : i32
    %convert_element_type3A = arith.extui %lt3A_17 : i1 to i32
    %cond3A = arith.constant 0 : i32
    %cond3A_18 = arith.cmpi ne, %convert_element_type3A, %cond3A : i32
    scf.if %cond3A_18 {
      %mul3A_139 = arith.constant 80 : i32
      %mul3A_140 = arith.muli %add3A_16, %mul3A_139 : i32
      "tpu.region"() ({
        %run_scoped3A = tpu.sem_alloc : memref<!tpu.dma_semaphore, #tpu.memory_space<semaphore_mem>>
        %dma_start3A = arith.constant 0 : i32
        %dma_start3A_141 = tpu.memref_slice %arg24[%mul3A_140, %dma_start3A] : memref<10000x80xf32, #tpu.memory_space<vmem_shared>> -> memref<80x80xf32, #tpu.memory_space<vmem_shared>>
        %dma_start3A_142 = arith.constant 0 : i32
        %dma_start3A_143 = tpu.memref_slice %arg24[%mul3A_140, %dma_start3A_142] : memref<10000x80xf32, #tpu.memory_space<vmem_shared>> -> memref<80x80xf32, #tpu.memory_space<vmem_shared>>
        tpu.enqueue_dma source(%arg23 : memref<80x80xf32, #tpu.memory_space<vmem>>) target(%dma_start3A_143 : memref<80x80xf32, #tpu.memory_space<vmem_shared>>) target_semaphore(%run_scoped3A : memref<!tpu.dma_semaphore, #tpu.memory_space<semaphore_mem>>)
        %dma_wait3A = arith.constant 0 : i32
        %dma_wait3A_144 = tpu.memref_slice %arg24[%mul3A_140, %dma_wait3A] : memref<10000x80xf32, #tpu.memory_space<vmem_shared>> -> memref<80x80xf32, #tpu.memory_space<vmem_shared>>
        %dma_wait3A_145 = arith.constant 0 : i32
        %dma_wait3A_146 = tpu.memref_slice %arg24[%mul3A_140, %dma_wait3A_145] : memref<10000x80xf32, #tpu.memory_space<vmem_shared>> -> memref<80x80xf32, #tpu.memory_space<vmem_shared>>
        tpu.wait_dma2 semaphore(%run_scoped3A : memref<!tpu.dma_semaphore, #tpu.memory_space<semaphore_mem>>) src(%arg23 : memref<80x80xf32, #tpu.memory_space<vmem>>) dst(%dma_wait3A_146 : memref<80x80xf32, #tpu.memory_space<vmem_shared>>)
        tpu.yield
      }) : () -> ()
    } else {
    }
    %add3A_19 = arith.constant 16 : i32
    %add3A_20 = arith.addi %arg1, %add3A_19 : i32
    %lt3A_21 = arith.constant 125 : i32
    %lt3A_22 = arith.cmpi slt, %add3A_20, %lt3A_21 : i32
    %convert_element_type3A_23 = arith.extui %lt3A_22 : i1 to i32
    %cond3A_24 = arith.constant 0 : i32
    %cond3A_25 = arith.cmpi ne, %convert_element_type3A_23, %cond3A_24 : i32
    scf.if %cond3A_25 {
      %mul3A_139 = arith.constant 80 : i32
      %mul3A_140 = arith.muli %add3A_20, %mul3A_139 : i32
      "tpu.region"() ({
        %run_scoped3A = tpu.sem_alloc : memref<!tpu.dma_semaphore, #tpu.memory_space<semaphore_mem>>
        %dma_start3A = arith.constant 0 : i32
        %dma_start3A_141 = tpu.memref_slice %arg24[%mul3A_140, %dma_start3A] : memref<10000x80xf32, #tpu.memory_space<vmem_shared>> -> memref<80x80xf32, #tpu.memory_space<vmem_shared>>
        %dma_start3A_142 = arith.constant 0 : i32
        %dma_start3A_143 = tpu.memref_slice %arg24[%mul3A_140, %dma_start3A_142] : memref<10000x80xf32, #tpu.memory_space<vmem_shared>> -> memref<80x80xf32, #tpu.memory_space<vmem_shared>>
        tpu.enqueue_dma source(%arg23 : memref<80x80xf32, #tpu.memory_space<vmem>>) target(%dma_start3A_143 : memref<80x80xf32, #tpu.memory_space<vmem_shared>>) target_semaphore(%run_scoped3A : memref<!tpu.dma_semaphore, #tpu.memory_space<semaphore_mem>>)
        %dma_wait3A = arith.constant 0 : i32
        %dma_wait3A_144 = tpu.memref_slice %arg24[%mul3A_140, %dma_wait3A] : memref<10000x80xf32, #tpu.memory_space<vmem_shared>> -> memref<80x80xf32, #tpu.memory_space<vmem_shared>>
        %dma_wait3A_145 = arith.constant 0 : i32
        %dma_wait3A_146 = tpu.memref_slice %arg24[%mul3A_140, %dma_wait3A_145] : memref<10000x80xf32, #tpu.memory_space<vmem_shared>> -> memref<80x80xf32, #tpu.memory_space<vmem_shared>>
        tpu.wait_dma2 semaphore(%run_scoped3A : memref<!tpu.dma_semaphore, #tpu.memory_space<semaphore_mem>>) src(%arg23 : memref<80x80xf32, #tpu.memory_space<vmem>>) dst(%dma_wait3A_146 : memref<80x80xf32, #tpu.memory_space<vmem_shared>>)
        tpu.yield
      }) : () -> ()
    } else {
    }
    %add3A_26 = arith.constant 32 : i32
    %add3A_27 = arith.addi %arg1, %add3A_26 : i32
    %lt3A_28 = arith.constant 125 : i32
    %lt3A_29 = arith.cmpi slt, %add3A_27, %lt3A_28 : i32
    %convert_element_type3A_30 = arith.extui %lt3A_29 : i1 to i32
    %cond3A_31 = arith.constant 0 : i32
    %cond3A_32 = arith.cmpi ne, %convert_element_type3A_30, %cond3A_31 : i32
    scf.if %cond3A_32 {
      %mul3A_139 = arith.constant 80 : i32
      %mul3A_140 = arith.muli %add3A_27, %mul3A_139 : i32
      "tpu.region"() ({
        %run_scoped3A = tpu.sem_alloc : memref<!tpu.dma_semaphore, #tpu.memory_space<semaphore_mem>>
        %dma_start3A = arith.constant 0 : i32
        %dma_start3A_141 = tpu.memref_slice %arg24[%mul3A_140, %dma_start3A] : memref<10000x80xf32, #tpu.memory_space<vmem_shared>> -> memref<80x80xf32, #tpu.memory_space<vmem_shared>>
        %dma_start3A_142 = arith.constant 0 : i32
        %dma_start3A_143 = tpu.memref_slice %arg24[%mul3A_140, %dma_start3A_142] : memref<10000x80xf32, #tpu.memory_space<vmem_shared>> -> memref<80x80xf32, #tpu.memory_space<vmem_shared>>
        tpu.enqueue_dma source(%arg23 : memref<80x80xf32, #tpu.memory_space<vmem>>) target(%dma_start3A_143 : memref<80x80xf32, #tpu.memory_space<vmem_shared>>) target_semaphore(%run_scoped3A : memref<!tpu.dma_semaphore, #tpu.memory_space<semaphore_mem>>)
        %dma_wait3A = arith.constant 0 : i32
        %dma_wait3A_144 = tpu.memref_slice %arg24[%mul3A_140, %dma_wait3A] : memref<10000x80xf32, #tpu.memory_space<vmem_shared>> -> memref<80x80xf32, #tpu.memory_space<vmem_shared>>
        %dma_wait3A_145 = arith.constant 0 : i32
        %dma_wait3A_146 = tpu.memref_slice %arg24[%mul3A_140, %dma_wait3A_145] : memref<10000x80xf32, #tpu.memory_space<vmem_shared>> -> memref<80x80xf32, #tpu.memory_space<vmem_shared>>
        tpu.wait_dma2 semaphore(%run_scoped3A : memref<!tpu.dma_semaphore, #tpu.memory_space<semaphore_mem>>) src(%arg23 : memref<80x80xf32, #tpu.memory_space<vmem>>) dst(%dma_wait3A_146 : memref<80x80xf32, #tpu.memory_space<vmem_shared>>)
        tpu.yield
      }) : () -> ()
    } else {
    }
    %add3A_33 = arith.constant 48 : i32
    %add3A_34 = arith.addi %arg1, %add3A_33 : i32
    %lt3A_35 = arith.constant 125 : i32
    %lt3A_36 = arith.cmpi slt, %add3A_34, %lt3A_35 : i32
    %convert_element_type3A_37 = arith.extui %lt3A_36 : i1 to i32
    %cond3A_38 = arith.constant 0 : i32
    %cond3A_39 = arith.cmpi ne, %convert_element_type3A_37, %cond3A_38 : i32
    scf.if %cond3A_39 {
      %mul3A_139 = arith.constant 80 : i32
      %mul3A_140 = arith.muli %add3A_34, %mul3A_139 : i32
      "tpu.region"() ({
        %run_scoped3A = tpu.sem_alloc : memref<!tpu.dma_semaphore, #tpu.memory_space<semaphore_mem>>
        %dma_start3A = arith.constant 0 : i32
        %dma_start3A_141 = tpu.memref_slice %arg24[%mul3A_140, %dma_start3A] : memref<10000x80xf32, #tpu.memory_space<vmem_shared>> -> memref<80x80xf32, #tpu.memory_space<vmem_shared>>
        %dma_start3A_142 = arith.constant 0 : i32
        %dma_start3A_143 = tpu.memref_slice %arg24[%mul3A_140, %dma_start3A_142] : memref<10000x80xf32, #tpu.memory_space<vmem_shared>> -> memref<80x80xf32, #tpu.memory_space<vmem_shared>>
        tpu.enqueue_dma source(%arg23 : memref<80x80xf32, #tpu.memory_space<vmem>>) target(%dma_start3A_143 : memref<80x80xf32, #tpu.memory_space<vmem_shared>>) target_semaphore(%run_scoped3A : memref<!tpu.dma_semaphore, #tpu.memory_space<semaphore_mem>>)
        %dma_wait3A = arith.constant 0 : i32
        %dma_wait3A_144 = tpu.memref_slice %arg24[%mul3A_140, %dma_wait3A] : memref<10000x80xf32, #tpu.memory_space<vmem_shared>> -> memref<80x80xf32, #tpu.memory_space<vmem_shared>>
        %dma_wait3A_145 = arith.constant 0 : i32
        %dma_wait3A_146 = tpu.memref_slice %arg24[%mul3A_140, %dma_wait3A_145] : memref<10000x80xf32, #tpu.memory_space<vmem_shared>> -> memref<80x80xf32, #tpu.memory_space<vmem_shared>>
        tpu.wait_dma2 semaphore(%run_scoped3A : memref<!tpu.dma_semaphore, #tpu.memory_space<semaphore_mem>>) src(%arg23 : memref<80x80xf32, #tpu.memory_space<vmem>>) dst(%dma_wait3A_146 : memref<80x80xf32, #tpu.memory_space<vmem_shared>>)
        tpu.yield
      }) : () -> ()
    } else {
    }
    %add3A_40 = arith.constant 64 : i32
    %add3A_41 = arith.addi %arg1, %add3A_40 : i32
    %lt3A_42 = arith.constant 125 : i32
    %lt3A_43 = arith.cmpi slt, %add3A_41, %lt3A_42 : i32
    %convert_element_type3A_44 = arith.extui %lt3A_43 : i1 to i32
    %cond3A_45 = arith.constant 0 : i32
    %cond3A_46 = arith.cmpi ne, %convert_element_type3A_44, %cond3A_45 : i32
    scf.if %cond3A_46 {
      %mul3A_139 = arith.constant 80 : i32
      %mul3A_140 = arith.muli %add3A_41, %mul3A_139 : i32
      "tpu.region"() ({
        %run_scoped3A = tpu.sem_alloc : memref<!tpu.dma_semaphore, #tpu.memory_space<semaphore_mem>>
        %dma_start3A = arith.constant 0 : i32
        %dma_start3A_141 = tpu.memref_slice %arg24[%mul3A_140, %dma_start3A] : memref<10000x80xf32, #tpu.memory_space<vmem_shared>> -> memref<80x80xf32, #tpu.memory_space<vmem_shared>>
        %dma_start3A_142 = arith.constant 0 : i32
        %dma_start3A_143 = tpu.memref_slice %arg24[%mul3A_140, %dma_start3A_142] : memref<10000x80xf32, #tpu.memory_space<vmem_shared>> -> memref<80x80xf32, #tpu.memory_space<vmem_shared>>
        tpu.enqueue_dma source(%arg23 : memref<80x80xf32, #tpu.memory_space<vmem>>) target(%dma_start3A_143 : memref<80x80xf32, #tpu.memory_space<vmem_shared>>) target_semaphore(%run_scoped3A : memref<!tpu.dma_semaphore, #tpu.memory_space<semaphore_mem>>)
        %dma_wait3A = arith.constant 0 : i32
        %dma_wait3A_144 = tpu.memref_slice %arg24[%mul3A_140, %dma_wait3A] : memref<10000x80xf32, #tpu.memory_space<vmem_shared>> -> memref<80x80xf32, #tpu.memory_space<vmem_shared>>
        %dma_wait3A_145 = arith.constant 0 : i32
        %dma_wait3A_146 = tpu.memref_slice %arg24[%mul3A_140, %dma_wait3A_145] : memref<10000x80xf32, #tpu.memory_space<vmem_shared>> -> memref<80x80xf32, #tpu.memory_space<vmem_shared>>
        tpu.wait_dma2 semaphore(%run_scoped3A : memref<!tpu.dma_semaphore, #tpu.memory_space<semaphore_mem>>) src(%arg23 : memref<80x80xf32, #tpu.memory_space<vmem>>) dst(%dma_wait3A_146 : memref<80x80xf32, #tpu.memory_space<vmem_shared>>)
        tpu.yield
      }) : () -> ()
    } else {
    }
    %add3A_47 = arith.constant 80 : i32
    %add3A_48 = arith.addi %arg1, %add3A_47 : i32
    %lt3A_49 = arith.constant 125 : i32
    %lt3A_50 = arith.cmpi slt, %add3A_48, %lt3A_49 : i32
    %convert_element_type3A_51 = arith.extui %lt3A_50 : i1 to i32
    %cond3A_52 = arith.constant 0 : i32
    %cond3A_53 = arith.cmpi ne, %convert_element_type3A_51, %cond3A_52 : i32
    scf.if %cond3A_53 {
      %mul3A_139 = arith.constant 80 : i32
      %mul3A_140 = arith.muli %add3A_48, %mul3A_139 : i32
      "tpu.region"() ({
        %run_scoped3A = tpu.sem_alloc : memref<!tpu.dma_semaphore, #tpu.memory_space<semaphore_mem>>
        %dma_start3A = arith.constant 0 : i32
        %dma_start3A_141 = tpu.memref_slice %arg24[%mul3A_140, %dma_start3A] : memref<10000x80xf32, #tpu.memory_space<vmem_shared>> -> memref<80x80xf32, #tpu.memory_space<vmem_shared>>
        %dma_start3A_142 = arith.constant 0 : i32
        %dma_start3A_143 = tpu.memref_slice %arg24[%mul3A_140, %dma_start3A_142] : memref<10000x80xf32, #tpu.memory_space<vmem_shared>> -> memref<80x80xf32, #tpu.memory_space<vmem_shared>>
        tpu.enqueue_dma source(%arg23 : memref<80x80xf32, #tpu.memory_space<vmem>>) target(%dma_start3A_143 : memref<80x80xf32, #tpu.memory_space<vmem_shared>>) target_semaphore(%run_scoped3A : memref<!tpu.dma_semaphore, #tpu.memory_space<semaphore_mem>>)
        %dma_wait3A = arith.constant 0 : i32
        %dma_wait3A_144 = tpu.memref_slice %arg24[%mul3A_140, %dma_wait3A] : memref<10000x80xf32, #tpu.memory_space<vmem_shared>> -> memref<80x80xf32, #tpu.memory_space<vmem_shared>>
        %dma_wait3A_145 = arith.constant 0 : i32
        %dma_wait3A_146 = tpu.memref_slice %arg24[%mul3A_140, %dma_wait3A_145] : memref<10000x80xf32, #tpu.memory_space<vmem_shared>> -> memref<80x80xf32, #tpu.memory_space<vmem_shared>>
        tpu.wait_dma2 semaphore(%run_scoped3A : memref<!tpu.dma_semaphore, #tpu.memory_space<semaphore_mem>>) src(%arg23 : memref<80x80xf32, #tpu.memory_space<vmem>>) dst(%dma_wait3A_146 : memref<80x80xf32, #tpu.memory_space<vmem_shared>>)
        tpu.yield
      }) : () -> ()
    } else {
    }
    %add3A_54 = arith.constant 96 : i32
    %add3A_55 = arith.addi %arg1, %add3A_54 : i32
    %lt3A_56 = arith.constant 125 : i32
    %lt3A_57 = arith.cmpi slt, %add3A_55, %lt3A_56 : i32
    %convert_element_type3A_58 = arith.extui %lt3A_57 : i1 to i32
    %cond3A_59 = arith.constant 0 : i32
    %cond3A_60 = arith.cmpi ne, %convert_element_type3A_58, %cond3A_59 : i32
    scf.if %cond3A_60 {
      %mul3A_139 = arith.constant 80 : i32
      %mul3A_140 = arith.muli %add3A_55, %mul3A_139 : i32
      "tpu.region"() ({
        %run_scoped3A = tpu.sem_alloc : memref<!tpu.dma_semaphore, #tpu.memory_space<semaphore_mem>>
        %dma_start3A = arith.constant 0 : i32
        %dma_start3A_141 = tpu.memref_slice %arg24[%mul3A_140, %dma_start3A] : memref<10000x80xf32, #tpu.memory_space<vmem_shared>> -> memref<80x80xf32, #tpu.memory_space<vmem_shared>>
        %dma_start3A_142 = arith.constant 0 : i32
        %dma_start3A_143 = tpu.memref_slice %arg24[%mul3A_140, %dma_start3A_142] : memref<10000x80xf32, #tpu.memory_space<vmem_shared>> -> memref<80x80xf32, #tpu.memory_space<vmem_shared>>
        tpu.enqueue_dma source(%arg23 : memref<80x80xf32, #tpu.memory_space<vmem>>) target(%dma_start3A_143 : memref<80x80xf32, #tpu.memory_space<vmem_shared>>) target_semaphore(%run_scoped3A : memref<!tpu.dma_semaphore, #tpu.memory_space<semaphore_mem>>)
        %dma_wait3A = arith.constant 0 : i32
        %dma_wait3A_144 = tpu.memref_slice %arg24[%mul3A_140, %dma_wait3A] : memref<10000x80xf32, #tpu.memory_space<vmem_shared>> -> memref<80x80xf32, #tpu.memory_space<vmem_shared>>
        %dma_wait3A_145 = arith.constant 0 : i32
        %dma_wait3A_146 = tpu.memref_slice %arg24[%mul3A_140, %dma_wait3A_145] : memref<10000x80xf32, #tpu.memory_space<vmem_shared>> -> memref<80x80xf32, #tpu.memory_space<vmem_shared>>
        tpu.wait_dma2 semaphore(%run_scoped3A : memref<!tpu.dma_semaphore, #tpu.memory_space<semaphore_mem>>) src(%arg23 : memref<80x80xf32, #tpu.memory_space<vmem>>) dst(%dma_wait3A_146 : memref<80x80xf32, #tpu.memory_space<vmem_shared>>)
        tpu.yield
      }) : () -> ()
    } else {
    }
    %add3A_61 = arith.constant 112 : i32
    %add3A_62 = arith.addi %arg1, %add3A_61 : i32
    %lt3A_63 = arith.constant 125 : i32
    %lt3A_64 = arith.cmpi slt, %add3A_62, %lt3A_63 : i32
    %convert_element_type3A_65 = arith.extui %lt3A_64 : i1 to i32
    %cond3A_66 = arith.constant 0 : i32
    %cond3A_67 = arith.cmpi ne, %convert_element_type3A_65, %cond3A_66 : i32
    scf.if %cond3A_67 {
      %mul3A_139 = arith.constant 80 : i32
      %mul3A_140 = arith.muli %add3A_62, %mul3A_139 : i32
      "tpu.region"() ({
        %run_scoped3A = tpu.sem_alloc : memref<!tpu.dma_semaphore, #tpu.memory_space<semaphore_mem>>
        %dma_start3A = arith.constant 0 : i32
        %dma_start3A_141 = tpu.memref_slice %arg24[%mul3A_140, %dma_start3A] : memref<10000x80xf32, #tpu.memory_space<vmem_shared>> -> memref<80x80xf32, #tpu.memory_space<vmem_shared>>
        %dma_start3A_142 = arith.constant 0 : i32
        %dma_start3A_143 = tpu.memref_slice %arg24[%mul3A_140, %dma_start3A_142] : memref<10000x80xf32, #tpu.memory_space<vmem_shared>> -> memref<80x80xf32, #tpu.memory_space<vmem_shared>>
        tpu.enqueue_dma source(%arg23 : memref<80x80xf32, #tpu.memory_space<vmem>>) target(%dma_start3A_143 : memref<80x80xf32, #tpu.memory_space<vmem_shared>>) target_semaphore(%run_scoped3A : memref<!tpu.dma_semaphore, #tpu.memory_space<semaphore_mem>>)
        %dma_wait3A = arith.constant 0 : i32
        %dma_wait3A_144 = tpu.memref_slice %arg24[%mul3A_140, %dma_wait3A] : memref<10000x80xf32, #tpu.memory_space<vmem_shared>> -> memref<80x80xf32, #tpu.memory_space<vmem_shared>>
        %dma_wait3A_145 = arith.constant 0 : i32
        %dma_wait3A_146 = tpu.memref_slice %arg24[%mul3A_140, %dma_wait3A_145] : memref<10000x80xf32, #tpu.memory_space<vmem_shared>> -> memref<80x80xf32, #tpu.memory_space<vmem_shared>>
        tpu.wait_dma2 semaphore(%run_scoped3A : memref<!tpu.dma_semaphore, #tpu.memory_space<semaphore_mem>>) src(%arg23 : memref<80x80xf32, #tpu.memory_space<vmem>>) dst(%dma_wait3A_146 : memref<80x80xf32, #tpu.memory_space<vmem_shared>>)
        tpu.yield
      }) : () -> ()
    } else {
    }
    %scan3A_68 = arith.constant 0 : i32
    %scan3A_69 = arith.constant 0 : i32
    %scan3A_70 = arith.constant 80 : i32
    %scan3A_71 = arith.addi %scan3A_69, %scan3A_70 : i32
    %scan3A_72 = arith.constant 1 : i32
    %scan3A_73 = scf.for %scan3A_139 = %scan3A_69 to %scan3A_71 step %scan3A_72 iter_args(%scan3A_140 = %scan3A_68) -> (i32)  : i32 {
      %swap3A = arith.index_cast %scan3A_139 : i32 to index
      %swap3A_141 = arith.constant 64 : index
      %swap3A_142 = tpu.vector_load %arg21[%swap3A, %swap3A_141] {strides = array<i32>} : memref<80x80xf32, #tpu.memory_space<vmem>>, vector<1x16xf32>,
      %swap3A_143 = vector.shape_cast %swap3A_142 : vector<1x16xf32> to vector<16xf32>
      %swap3A_144 = vector.shape_cast %select_n3A : vector<16xf32> to vector<1x16xf32>
      tpu.vector_store %arg21[%swap3A, %swap3A_141], %swap3A_144 {strides = array<i32>} : memref<80x80xf32, #tpu.memory_space<vmem>>, vector<1x16xf32>,
      %swap3A_145 = arith.index_cast %scan3A_139 : i32 to index
      %swap3A_146 = arith.constant 64 : index
      %swap3A_147 = tpu.vector_load %arg22[%swap3A_145, %swap3A_146] {strides = array<i32>} : memref<80x80xf32, #tpu.memory_space<vmem>>, vector<1x16xf32>,
      %swap3A_148 = vector.shape_cast %swap3A_147 : vector<1x16xf32> to vector<16xf32>
      %swap3A_149 = vector.shape_cast %select_n3A : vector<16xf32> to vector<1x16xf32>
      tpu.vector_store %arg22[%swap3A_145, %swap3A_146], %swap3A_149 {strides = array<i32>} : memref<80x80xf32, #tpu.memory_space<vmem>>, vector<1x16xf32>,
      %scan3A_150 = arith.constant 0 : i32
      scf.yield %scan3A_150 : i32
    }
    %scan3A_74 = arith.constant 80 : i32
    %barrier3A = arith.constant 0 : index
    tpu.barrier barrier_id(%barrier3A)
    %scan3A_75 = arith.constant 0 : i32
    %scan3A_76 = arith.constant 0 : i32
    %scan3A_77 = arith.constant 250 : i32
    %scan3A_78 = arith.addi %scan3A_76, %scan3A_77 : i32
    %scan3A_79 = arith.constant 1 : i32
    %scan3A_80 = scf.for %scan3A_139 = %scan3A_76 to %scan3A_78 step %scan3A_79 iter_args(%scan3A_140 = %scan3A_75) -> (i32)  : i32 {
      %mul3A_141 = arith.constant 20000 : i32
      %mul3A_142 = arith.muli %arg1, %mul3A_141 : i32
      %mul3A_143 = arith.constant 80 : i32
      %mul3A_144 = arith.muli %scan3A_139, %mul3A_143 : i32
      %add3A_145 = arith.addi %mul3A_142, %mul3A_144 : i32
      "tpu.region"() ({
        %run_scoped3A = tpu.sem_alloc : memref<!tpu.dma_semaphore, #tpu.memory_space<semaphore_mem>>
        %dma_start3A_191 = tpu.memref_slice %arg2[%add3A_145] : memref<320000xi32, #tpu.memory_space<hbm>> -> memref<80xi32, #tpu.memory_space<hbm>>
        %dma_start3A_192 = tpu.memref_slice %arg2[%add3A_145] : memref<320000xi32, #tpu.memory_space<hbm>> -> memref<80xi32, #tpu.memory_space<hbm>>
        tpu.enqueue_dma source(%dma_start3A_192 : memref<80xi32, #tpu.memory_space<hbm>>) target(%arg10 : memref<80xi32, #tpu.memory_space<vmem>>) target_semaphore(%run_scoped3A : memref<!tpu.dma_semaphore, #tpu.memory_space<semaphore_mem>>)
        %dma_wait3A_193 = tpu.memref_slice %arg2[%add3A_145] : memref<320000xi32, #tpu.memory_space<hbm>> -> memref<80xi32, #tpu.memory_space<hbm>>
        %dma_wait3A_194 = tpu.memref_slice %arg2[%add3A_145] : memref<320000xi32, #tpu.memory_space<hbm>> -> memref<80xi32, #tpu.memory_space<hbm>>
        tpu.wait_dma2 semaphore(%run_scoped3A : memref<!tpu.dma_semaphore, #tpu.memory_space<semaphore_mem>>) src(%dma_wait3A_194 : memref<80xi32, #tpu.memory_space<hbm>>) dst(%arg10 : memref<80xi32, #tpu.memory_space<vmem>>)
        tpu.yield
      }) : () -> ()
      "tpu.region"() ({
        %run_scoped3A = tpu.sem_alloc : memref<!tpu.dma_semaphore, #tpu.memory_space<semaphore_mem>>
        %dma_start3A_191 = tpu.memref_slice %arg3[%add3A_145] : memref<320000xi32, #tpu.memory_space<hbm>> -> memref<80xi32, #tpu.memory_space<hbm>>
        %dma_start3A_192 = tpu.memref_slice %arg3[%add3A_145] : memref<320000xi32, #tpu.memory_space<hbm>> -> memref<80xi32, #tpu.memory_space<hbm>>
        tpu.enqueue_dma source(%dma_start3A_192 : memref<80xi32, #tpu.memory_space<hbm>>) target(%arg11 : memref<80xi32, #tpu.memory_space<vmem>>) target_semaphore(%run_scoped3A : memref<!tpu.dma_semaphore, #tpu.memory_space<semaphore_mem>>)
        %dma_wait3A_193 = tpu.memref_slice %arg3[%add3A_145] : memref<320000xi32, #tpu.memory_space<hbm>> -> memref<80xi32, #tpu.memory_space<hbm>>
        %dma_wait3A_194 = tpu.memref_slice %arg3[%add3A_145] : memref<320000xi32, #tpu.memory_space<hbm>> -> memref<80xi32, #tpu.memory_space<hbm>>
        tpu.wait_dma2 semaphore(%run_scoped3A : memref<!tpu.dma_semaphore, #tpu.memory_space<semaphore_mem>>) src(%dma_wait3A_194 : memref<80xi32, #tpu.memory_space<hbm>>) dst(%arg11 : memref<80xi32, #tpu.memory_space<vmem>>)
        tpu.yield
      }) : () -> ()
      %scan3A_146 = arith.constant 0 : i32
      %scan3A_147 = arith.constant 0 : i32
      %scan3A_148 = arith.constant 5 : i32
      %scan3A_149 = arith.addi %scan3A_147, %scan3A_148 : i32
      %scan3A_150 = arith.constant 1 : i32
      %scan3A_151 = scf.for %scan3A_191 = %scan3A_147 to %scan3A_149 step %scan3A_150 iter_args(%scan3A_192 = %scan3A_146) -> (i32)  : i32 {
        %mul3A_193 = arith.constant 16 : i32
        %mul3A_194 = arith.muli %scan3A_191, %mul3A_193 : i32
        %get3A = arith.index_cast %mul3A_194 : i32 to index
        %get3A_195 = tpu.vector_load %arg10[%get3A] {strides = array<i32>} : memref<80xi32, #tpu.memory_space<vmem>>, vector<16xi32>,
        %get3A_196 = vector.shape_cast %get3A_195 : vector<16xi32> to vector<16xi32>
        %add3A_197 = arith.addi %get3A_196, %broadcast_in_dim3A : vector<16xi32>
        %swap3A = arith.index_cast %mul3A_194 : i32 to index
        %swap3A_198 = tpu.vector_load %arg12[%swap3A] {strides = array<i32>} : memref<80xi32, #tpu.memory_space<vmem>>, vector<16xi32>,
        %swap3A_199 = vector.shape_cast %swap3A_198 : vector<16xi32> to vector<16xi32>
        %swap3A_200 = vector.shape_cast %add3A_197 : vector<16xi32> to vector<16xi32>
        tpu.vector_store %arg12[%swap3A], %swap3A_200 {strides = array<i32>} : memref<80xi32, #tpu.memory_space<vmem>>, vector<16xi32>,
        %get3A_201 = arith.index_cast %mul3A_194 : i32 to index
        %get3A_202 = tpu.vector_load %arg11[%get3A_201] {strides = array<i32>} : memref<80xi32, #tpu.memory_space<vmem>>, vector<16xi32>,
        %get3A_203 = vector.shape_cast %get3A_202 : vector<16xi32> to vector<16xi32>
        %add3A_204 = arith.addi %get3A_203, %broadcast_in_dim3A : vector<16xi32>
        %swap3A_205 = arith.index_cast %mul3A_194 : i32 to index
        %swap3A_206 = tpu.vector_load %arg13[%swap3A_205] {strides = array<i32>} : memref<80xi32, #tpu.memory_space<vmem>>, vector<16xi32>,
        %swap3A_207 = vector.shape_cast %swap3A_206 : vector<16xi32> to vector<16xi32>
        %swap3A_208 = vector.shape_cast %add3A_204 : vector<16xi32> to vector<16xi32>
        tpu.vector_store %arg13[%swap3A_205], %swap3A_208 {strides = array<i32>} : memref<80xi32, #tpu.memory_space<vmem>>, vector<16xi32>,
        %scan3A_209 = arith.constant 0 : i32
        scf.yield %scan3A_209 : i32
      }
      %scan3A_152 = arith.constant 5 : i32
      %dma_start3A = arith.constant 0 : i32
      %dma_start3A_153 = arith.constant 0 : i32
      %dma_start3A_154 = tpu.memref_slice %arg4[%dma_start3A, %dma_start3A_153] : memref<20000x64xf32, #tpu.memory_space<hbm>> -> memref<20000x64xf32, #tpu.memory_space<hbm>>
      tpu.enqueue_indirect_dma source(%dma_start3A_154 : memref<20000x64xf32, #tpu.memory_space<hbm>>) target(%arg14 : memref<80x64xf32, #tpu.memory_space<vmem>>) offsets(%arg12 : memref<80xi32, #tpu.memory_space<vmem>>) semaphore(%arg25 : memref<!tpu.dma_semaphore, #tpu.memory_space<semaphore_mem>>)
      %dma_start3A_155 = arith.constant 0 : i32
      %dma_start3A_156 = arith.constant 0 : i32
      %dma_start3A_157 = tpu.memref_slice %arg4[%dma_start3A_155, %dma_start3A_156] : memref<20000x64xf32, #tpu.memory_space<hbm>> -> memref<20000x64xf32, #tpu.memory_space<hbm>>
      tpu.enqueue_indirect_dma source(%dma_start3A_157 : memref<20000x64xf32, #tpu.memory_space<hbm>>) target(%arg15 : memref<80x64xf32, #tpu.memory_space<vmem>>) offsets(%arg13 : memref<80xi32, #tpu.memory_space<vmem>>) semaphore(%arg25 : memref<!tpu.dma_semaphore, #tpu.memory_space<semaphore_mem>>)
      %dma_start3A_158 = arith.constant 0 : i32
      %dma_start3A_159 = arith.constant 0 : i32
      %dma_start3A_160 = tpu.memref_slice %arg5[%dma_start3A_158, %dma_start3A_159] : memref<20000x64xf32, #tpu.memory_space<hbm>> -> memref<20000x64xf32, #tpu.memory_space<hbm>>
      tpu.enqueue_indirect_dma source(%dma_start3A_160 : memref<20000x64xf32, #tpu.memory_space<hbm>>) target(%arg16 : memref<80x64xf32, #tpu.memory_space<vmem>>) offsets(%arg12 : memref<80xi32, #tpu.memory_space<vmem>>) semaphore(%arg25 : memref<!tpu.dma_semaphore, #tpu.memory_space<semaphore_mem>>)
      %dma_start3A_161 = arith.constant 0 : i32
      %dma_start3A_162 = arith.constant 0 : i32
      %dma_start3A_163 = tpu.memref_slice %arg5[%dma_start3A_161, %dma_start3A_162] : memref<20000x64xf32, #tpu.memory_space<hbm>> -> memref<20000x64xf32, #tpu.memory_space<hbm>>
      tpu.enqueue_indirect_dma source(%dma_start3A_163 : memref<20000x64xf32, #tpu.memory_space<hbm>>) target(%arg17 : memref<80x64xf32, #tpu.memory_space<vmem>>) offsets(%arg13 : memref<80xi32, #tpu.memory_space<vmem>>) semaphore(%arg25 : memref<!tpu.dma_semaphore, #tpu.memory_space<semaphore_mem>>)
      %dma_start3A_164 = tpu.memref_slice %arg6[%add3A_145, %mul3A_0] : memref<320000x128xf32, #tpu.memory_space<hbm>> -> memref<80x64xf32, #tpu.memory_space<hbm>>
      %dma_start3A_165 = tpu.memref_slice %arg6[%add3A_145, %mul3A_0] : memref<320000x128xf32, #tpu.memory_space<hbm>> -> memref<80x64xf32, #tpu.memory_space<hbm>>
      tpu.enqueue_dma source(%dma_start3A_165 : memref<80x64xf32, #tpu.memory_space<hbm>>) target(%arg18 : memref<80x64xf32, #tpu.memory_space<vmem>>) target_semaphore(%arg25 : memref<!tpu.dma_semaphore, #tpu.memory_space<semaphore_mem>>)
      %dma_start3A_166 = tpu.memref_slice %arg7[%add3A_145, %mul3A_0] : memref<320000x128xf32, #tpu.memory_space<hbm>> -> memref<80x64xf32, #tpu.memory_space<hbm>>
      %dma_start3A_167 = tpu.memref_slice %arg7[%add3A_145, %mul3A_0] : memref<320000x128xf32, #tpu.memory_space<hbm>> -> memref<80x64xf32, #tpu.memory_space<hbm>>
      tpu.enqueue_dma source(%dma_start3A_167 : memref<80x64xf32, #tpu.memory_space<hbm>>) target(%arg19 : memref<80x64xf32, #tpu.memory_space<vmem>>) target_semaphore(%arg25 : memref<!tpu.dma_semaphore, #tpu.memory_space<semaphore_mem>>)
      %dma_wait3A = arith.constant 0 : i32
      %dma_wait3A_168 = arith.constant 0 : i32
      %dma_wait3A_169 = tpu.memref_slice %arg4[%dma_wait3A, %dma_wait3A_168] : memref<20000x64xf32, #tpu.memory_space<hbm>> -> memref<20000x64xf32, #tpu.memory_space<hbm>>
      tpu.wait_indirect_dma semaphore(%arg25 : memref<!tpu.dma_semaphore, #tpu.memory_space<semaphore_mem>>) src(%dma_wait3A_169 : memref<20000x64xf32, #tpu.memory_space<hbm>>) dst(%arg14 : memref<80x64xf32, #tpu.memory_space<vmem>>)
      %dma_wait3A_170 = arith.constant 0 : i32
      %dma_wait3A_171 = arith.constant 0 : i32
      %dma_wait3A_172 = tpu.memref_slice %arg4[%dma_wait3A_170, %dma_wait3A_171] : memref<20000x64xf32, #tpu.memory_space<hbm>> -> memref<20000x64xf32, #tpu.memory_space<hbm>>
      tpu.wait_indirect_dma semaphore(%arg25 : memref<!tpu.dma_semaphore, #tpu.memory_space<semaphore_mem>>) src(%dma_wait3A_172 : memref<20000x64xf32, #tpu.memory_space<hbm>>) dst(%arg15 : memref<80x64xf32, #tpu.memory_space<vmem>>)
      %dma_wait3A_173 = arith.constant 0 : i32
      %dma_wait3A_174 = arith.constant 0 : i32
      %dma_wait3A_175 = tpu.memref_slice %arg5[%dma_wait3A_173, %dma_wait3A_174] : memref<20000x64xf32, #tpu.memory_space<hbm>> -> memref<20000x64xf32, #tpu.memory_space<hbm>>
      tpu.wait_indirect_dma semaphore(%arg25 : memref<!tpu.dma_semaphore, #tpu.memory_space<semaphore_mem>>) src(%dma_wait3A_175 : memref<20000x64xf32, #tpu.memory_space<hbm>>) dst(%arg16 : memref<80x64xf32, #tpu.memory_space<vmem>>)
      %dma_wait3A_176 = arith.constant 0 : i32
      %dma_wait3A_177 = arith.constant 0 : i32
      %dma_wait3A_178 = tpu.memref_slice %arg5[%dma_wait3A_176, %dma_wait3A_177] : memref<20000x64xf32, #tpu.memory_space<hbm>> -> memref<20000x64xf32, #tpu.memory_space<hbm>>
      tpu.wait_indirect_dma semaphore(%arg25 : memref<!tpu.dma_semaphore, #tpu.memory_space<semaphore_mem>>) src(%dma_wait3A_178 : memref<20000x64xf32, #tpu.memory_space<hbm>>) dst(%arg17 : memref<80x64xf32, #tpu.memory_space<vmem>>)
      %dma_wait3A_179 = tpu.memref_slice %arg6[%add3A_145, %mul3A_0] : memref<320000x128xf32, #tpu.memory_space<hbm>> -> memref<80x64xf32, #tpu.memory_space<hbm>>
      %dma_wait3A_180 = tpu.memref_slice %arg6[%add3A_145, %mul3A_0] : memref<320000x128xf32, #tpu.memory_space<hbm>> -> memref<80x64xf32, #tpu.memory_space<hbm>>
      tpu.wait_dma2 semaphore(%arg25 : memref<!tpu.dma_semaphore, #tpu.memory_space<semaphore_mem>>) src(%dma_wait3A_180 : memref<80x64xf32, #tpu.memory_space<hbm>>) dst(%arg18 : memref<80x64xf32, #tpu.memory_space<vmem>>)
      %dma_wait3A_181 = tpu.memref_slice %arg7[%add3A_145, %mul3A_0] : memref<320000x128xf32, #tpu.memory_space<hbm>> -> memref<80x64xf32, #tpu.memory_space<hbm>>
      %dma_wait3A_182 = tpu.memref_slice %arg7[%add3A_145, %mul3A_0] : memref<320000x128xf32, #tpu.memory_space<hbm>> -> memref<80x64xf32, #tpu.memory_space<hbm>>
      tpu.wait_dma2 semaphore(%arg25 : memref<!tpu.dma_semaphore, #tpu.memory_space<semaphore_mem>>) src(%dma_wait3A_182 : memref<80x64xf32, #tpu.memory_space<hbm>>) dst(%arg19 : memref<80x64xf32, #tpu.memory_space<vmem>>)
      %scan3A_183 = arith.constant 0 : i32
      %scan3A_184 = arith.constant 0 : i32
      %scan3A_185 = arith.constant 80 : i32
      %scan3A_186 = arith.addi %scan3A_184, %scan3A_185 : i32
      %scan3A_187 = arith.constant 1 : i32
      %scan3A_188 = scf.for %scan3A_191 = %scan3A_184 to %scan3A_186 step %scan3A_187 iter_args(%scan3A_192 = %scan3A_183) -> (i32)  : i32 {
        %get3A = arith.index_cast %scan3A_191 : i32 to index
        %get3A_193 = arith.constant 0 : index
        %get3A_194 = tpu.vector_load %arg18[%get3A, %get3A_193] {strides = array<i32>} : memref<80x64xf32, #tpu.memory_space<vmem>>, vector<1x16xf32>,
        %get3A_195 = vector.shape_cast %get3A_194 : vector<1x16xf32> to vector<16xf32>
        %get3A_196 = arith.index_cast %scan3A_191 : i32 to index
        %get3A_197 = arith.constant 0 : index
        %get3A_198 = tpu.vector_load %arg14[%get3A_196, %get3A_197] {strides = array<i32>} : memref<80x64xf32, #tpu.memory_space<vmem>>, vector<1x16xf32>,
        %get3A_199 = vector.shape_cast %get3A_198 : vector<1x16xf32> to vector<16xf32>
        %get3A_200 = arith.index_cast %scan3A_191 : i32 to index
        %get3A_201 = arith.constant 0 : index
        %get3A_202 = tpu.vector_load %arg17[%get3A_200, %get3A_201] {strides = array<i32>} : memref<80x64xf32, #tpu.memory_space<vmem>>, vector<1x16xf32>,
        %get3A_203 = vector.shape_cast %get3A_202 : vector<1x16xf32> to vector<16xf32>
        %add3A_204 = arith.addf %get3A_199, %get3A_203 : vector<16xf32>
        %add3A_205 = arith.addf %add3A_204, %get3A_195 : vector<16xf32>
        %get3A_206 = arith.index_cast %scan3A_191 : i32 to index
        %get3A_207 = arith.constant 0 : index
        %get3A_208 = tpu.vector_load %arg15[%get3A_206, %get3A_207] {strides = array<i32>} : memref<80x64xf32, #tpu.memory_space<vmem>>, vector<1x16xf32>,
        %get3A_209 = vector.shape_cast %get3A_208 : vector<1x16xf32> to vector<16xf32>
        %get3A_210 = arith.index_cast %scan3A_191 : i32 to index
        %get3A_211 = arith.constant 0 : index
        %get3A_212 = tpu.vector_load %arg16[%get3A_210, %get3A_211] {strides = array<i32>} : memref<80x64xf32, #tpu.memory_space<vmem>>, vector<1x16xf32>,
        %get3A_213 = vector.shape_cast %get3A_212 : vector<1x16xf32> to vector<16xf32>
        %add3A_214 = arith.addf %get3A_209, %get3A_213 : vector<16xf32>
        %add3A_215 = arith.addf %add3A_214, %get3A_195 : vector<16xf32>
        %swap3A = arith.index_cast %scan3A_191 : i32 to index
        %swap3A_216 = arith.constant 0 : index
        %swap3A_217 = tpu.vector_load %arg21[%swap3A, %swap3A_216] {strides = array<i32>} : memref<80x80xf32, #tpu.memory_space<vmem>>, vector<1x16xf32>,
        %swap3A_218 = vector.shape_cast %swap3A_217 : vector<1x16xf32> to vector<16xf32>
        %swap3A_219 = vector.shape_cast %add3A_205 : vector<16xf32> to vector<1x16xf32>
        tpu.vector_store %arg21[%swap3A, %swap3A_216], %swap3A_219 {strides = array<i32>} : memref<80x80xf32, #tpu.memory_space<vmem>>, vector<1x16xf32>,
        %swap3A_220 = arith.index_cast %scan3A_191 : i32 to index
        %swap3A_221 = arith.constant 0 : index
        %swap3A_222 = tpu.vector_load %arg22[%swap3A_220, %swap3A_221] {strides = array<i32>} : memref<80x80xf32, #tpu.memory_space<vmem>>, vector<1x16xf32>,
        %swap3A_223 = vector.shape_cast %swap3A_222 : vector<1x16xf32> to vector<16xf32>
        %swap3A_224 = vector.shape_cast %add3A_215 : vector<16xf32> to vector<1x16xf32>
        tpu.vector_store %arg22[%swap3A_220, %swap3A_221], %swap3A_224 {strides = array<i32>} : memref<80x80xf32, #tpu.memory_space<vmem>>, vector<1x16xf32>,
        %add3A_225 = arith.addf %add3A_205, %add3A_215 : vector<16xf32>
        %mul3A_226 = arith.constant 5.000000e-01 : f32
        %mul3A_227 = vector.broadcast %mul3A_226 : f32 to vector<16xf32>
        %mul3A_228 = arith.mulf %add3A_225, %mul3A_227 : vector<16xf32>
        %get3A_229 = arith.index_cast %scan3A_191 : i32 to index
        %get3A_230 = arith.constant 0 : index
        %get3A_231 = tpu.vector_load %arg19[%get3A_229, %get3A_230] {strides = array<i32>} : memref<80x64xf32, #tpu.memory_space<vmem>>, vector<1x16xf32>,
        %get3A_232 = vector.shape_cast %get3A_231 : vector<1x16xf32> to vector<16xf32>
        %add3A_233 = arith.addf %mul3A_228, %get3A_232 : vector<16xf32>
        %swap3A_234 = arith.index_cast %scan3A_191 : i32 to index
        %swap3A_235 = arith.constant 0 : index
        %swap3A_236 = tpu.vector_load %arg20[%swap3A_234, %swap3A_235] {strides = array<i32>} : memref<80x64xf32, #tpu.memory_space<vmem>>, vector<1x16xf32>,
        %swap3A_237 = vector.shape_cast %swap3A_236 : vector<1x16xf32> to vector<16xf32>
        %swap3A_238 = vector.shape_cast %add3A_233 : vector<16xf32> to vector<1x16xf32>
        tpu.vector_store %arg20[%swap3A_234, %swap3A_235], %swap3A_238 {strides = array<i32>} : memref<80x64xf32, #tpu.memory_space<vmem>>, vector<1x16xf32>,
        %get3A_239 = arith.index_cast %scan3A_191 : i32 to index
        %get3A_240 = arith.constant 16 : index
        %get3A_241 = tpu.vector_load %arg18[%get3A_239, %get3A_240] {strides = array<i32>} : memref<80x64xf32, #tpu.memory_space<vmem>>, vector<1x16xf32>,
        %get3A_242 = vector.shape_cast %get3A_241 : vector<1x16xf32> to vector<16xf32>
        %get3A_243 = arith.index_cast %scan3A_191 : i32 to index
        %get3A_244 = arith.constant 16 : index
        %get3A_245 = tpu.vector_load %arg14[%get3A_243, %get3A_244] {strides = array<i32>} : memref<80x64xf32, #tpu.memory_space<vmem>>, vector<1x16xf32>,
        %get3A_246 = vector.shape_cast %get3A_245 : vector<1x16xf32> to vector<16xf32>
        %get3A_247 = arith.index_cast %scan3A_191 : i32 to index
        %get3A_248 = arith.constant 16 : index
        %get3A_249 = tpu.vector_load %arg17[%get3A_247, %get3A_248] {strides = array<i32>} : memref<80x64xf32, #tpu.memory_space<vmem>>, vector<1x16xf32>,
        %get3A_250 = vector.shape_cast %get3A_249 : vector<1x16xf32> to vector<16xf32>
        %add3A_251 = arith.addf %get3A_246, %get3A_250 : vector<16xf32>
        %add3A_252 = arith.addf %add3A_251, %get3A_242 : vector<16xf32>
        %get3A_253 = arith.index_cast %scan3A_191 : i32 to index
        %get3A_254 = arith.constant 16 : index
        %get3A_255 = tpu.vector_load %arg15[%get3A_253, %get3A_254] {strides = array<i32>} : memref<80x64xf32, #tpu.memory_space<vmem>>, vector<1x16xf32>,
        %get3A_256 = vector.shape_cast %get3A_255 : vector<1x16xf32> to vector<16xf32>
        %get3A_257 = arith.index_cast %scan3A_191 : i32 to index
        %get3A_258 = arith.constant 16 : index
        %get3A_259 = tpu.vector_load %arg16[%get3A_257, %get3A_258] {strides = array<i32>} : memref<80x64xf32, #tpu.memory_space<vmem>>, vector<1x16xf32>,
        %get3A_260 = vector.shape_cast %get3A_259 : vector<1x16xf32> to vector<16xf32>
        %add3A_261 = arith.addf %get3A_256, %get3A_260 : vector<16xf32>
        %add3A_262 = arith.addf %add3A_261, %get3A_242 : vector<16xf32>
        %swap3A_263 = arith.index_cast %scan3A_191 : i32 to index
        %swap3A_264 = arith.constant 16 : index
        %swap3A_265 = tpu.vector_load %arg21[%swap3A_263, %swap3A_264] {strides = array<i32>} : memref<80x80xf32, #tpu.memory_space<vmem>>, vector<1x16xf32>,
        %swap3A_266 = vector.shape_cast %swap3A_265 : vector<1x16xf32> to vector<16xf32>
        %swap3A_267 = vector.shape_cast %add3A_252 : vector<16xf32> to vector<1x16xf32>
        tpu.vector_store %arg21[%swap3A_263, %swap3A_264], %swap3A_267 {strides = array<i32>} : memref<80x80xf32, #tpu.memory_space<vmem>>, vector<1x16xf32>,
        %swap3A_268 = arith.index_cast %scan3A_191 : i32 to index
        %swap3A_269 = arith.constant 16 : index
        %swap3A_270 = tpu.vector_load %arg22[%swap3A_268, %swap3A_269] {strides = array<i32>} : memref<80x80xf32, #tpu.memory_space<vmem>>, vector<1x16xf32>,
        %swap3A_271 = vector.shape_cast %swap3A_270 : vector<1x16xf32> to vector<16xf32>
        %swap3A_272 = vector.shape_cast %add3A_262 : vector<16xf32> to vector<1x16xf32>
        tpu.vector_store %arg22[%swap3A_268, %swap3A_269], %swap3A_272 {strides = array<i32>} : memref<80x80xf32, #tpu.memory_space<vmem>>, vector<1x16xf32>,
        %add3A_273 = arith.addf %add3A_252, %add3A_262 : vector<16xf32>
        %mul3A_274 = arith.constant 5.000000e-01 : f32
        %mul3A_275 = vector.broadcast %mul3A_274 : f32 to vector<16xf32>
        %mul3A_276 = arith.mulf %add3A_273, %mul3A_275 : vector<16xf32>
        %get3A_277 = arith.index_cast %scan3A_191 : i32 to index
        %get3A_278 = arith.constant 16 : index
        %get3A_279 = tpu.vector_load %arg19[%get3A_277, %get3A_278] {strides = array<i32>} : memref<80x64xf32, #tpu.memory_space<vmem>>, vector<1x16xf32>,
        %get3A_280 = vector.shape_cast %get3A_279 : vector<1x16xf32> to vector<16xf32>
        %add3A_281 = arith.addf %mul3A_276, %get3A_280 : vector<16xf32>
        %swap3A_282 = arith.index_cast %scan3A_191 : i32 to index
        %swap3A_283 = arith.constant 16 : index
        %swap3A_284 = tpu.vector_load %arg20[%swap3A_282, %swap3A_283] {strides = array<i32>} : memref<80x64xf32, #tpu.memory_space<vmem>>, vector<1x16xf32>,
        %swap3A_285 = vector.shape_cast %swap3A_284 : vector<1x16xf32> to vector<16xf32>
        %swap3A_286 = vector.shape_cast %add3A_281 : vector<16xf32> to vector<1x16xf32>
        tpu.vector_store %arg20[%swap3A_282, %swap3A_283], %swap3A_286 {strides = array<i32>} : memref<80x64xf32, #tpu.memory_space<vmem>>, vector<1x16xf32>,
        %get3A_287 = arith.index_cast %scan3A_191 : i32 to index
        %get3A_288 = arith.constant 32 : index
        %get3A_289 = tpu.vector_load %arg18[%get3A_287, %get3A_288] {strides = array<i32>} : memref<80x64xf32, #tpu.memory_space<vmem>>, vector<1x16xf32>,
        %get3A_290 = vector.shape_cast %get3A_289 : vector<1x16xf32> to vector<16xf32>
        %get3A_291 = arith.index_cast %scan3A_191 : i32 to index
        %get3A_292 = arith.constant 32 : index
        %get3A_293 = tpu.vector_load %arg14[%get3A_291, %get3A_292] {strides = array<i32>} : memref<80x64xf32, #tpu.memory_space<vmem>>, vector<1x16xf32>,
        %get3A_294 = vector.shape_cast %get3A_293 : vector<1x16xf32> to vector<16xf32>
        %get3A_295 = arith.index_cast %scan3A_191 : i32 to index
        %get3A_296 = arith.constant 32 : index
        %get3A_297 = tpu.vector_load %arg17[%get3A_295, %get3A_296] {strides = array<i32>} : memref<80x64xf32, #tpu.memory_space<vmem>>, vector<1x16xf32>,
        %get3A_298 = vector.shape_cast %get3A_297 : vector<1x16xf32> to vector<16xf32>
        %add3A_299 = arith.addf %get3A_294, %get3A_298 : vector<16xf32>
        %add3A_300 = arith.addf %add3A_299, %get3A_290 : vector<16xf32>
        %get3A_301 = arith.index_cast %scan3A_191 : i32 to index
        %get3A_302 = arith.constant 32 : index
        %get3A_303 = tpu.vector_load %arg15[%get3A_301, %get3A_302] {strides = array<i32>} : memref<80x64xf32, #tpu.memory_space<vmem>>, vector<1x16xf32>,
        %get3A_304 = vector.shape_cast %get3A_303 : vector<1x16xf32> to vector<16xf32>
        %get3A_305 = arith.index_cast %scan3A_191 : i32 to index
        %get3A_306 = arith.constant 32 : index
        %get3A_307 = tpu.vector_load %arg16[%get3A_305, %get3A_306] {strides = array<i32>} : memref<80x64xf32, #tpu.memory_space<vmem>>, vector<1x16xf32>,
        %get3A_308 = vector.shape_cast %get3A_307 : vector<1x16xf32> to vector<16xf32>
        %add3A_309 = arith.addf %get3A_304, %get3A_308 : vector<16xf32>
        %add3A_310 = arith.addf %add3A_309, %get3A_290 : vector<16xf32>
        %swap3A_311 = arith.index_cast %scan3A_191 : i32 to index
        %swap3A_312 = arith.constant 32 : index
        %swap3A_313 = tpu.vector_load %arg21[%swap3A_311, %swap3A_312] {strides = array<i32>} : memref<80x80xf32, #tpu.memory_space<vmem>>, vector<1x16xf32>,
        %swap3A_314 = vector.shape_cast %swap3A_313 : vector<1x16xf32> to vector<16xf32>
        %swap3A_315 = vector.shape_cast %add3A_300 : vector<16xf32> to vector<1x16xf32>
        tpu.vector_store %arg21[%swap3A_311, %swap3A_312], %swap3A_315 {strides = array<i32>} : memref<80x80xf32, #tpu.memory_space<vmem>>, vector<1x16xf32>,
        %swap3A_316 = arith.index_cast %scan3A_191 : i32 to index
        %swap3A_317 = arith.constant 32 : index
        %swap3A_318 = tpu.vector_load %arg22[%swap3A_316, %swap3A_317] {strides = array<i32>} : memref<80x80xf32, #tpu.memory_space<vmem>>, vector<1x16xf32>,
        %swap3A_319 = vector.shape_cast %swap3A_318 : vector<1x16xf32> to vector<16xf32>
        %swap3A_320 = vector.shape_cast %add3A_310 : vector<16xf32> to vector<1x16xf32>
        tpu.vector_store %arg22[%swap3A_316, %swap3A_317], %swap3A_320 {strides = array<i32>} : memref<80x80xf32, #tpu.memory_space<vmem>>, vector<1x16xf32>,
        %add3A_321 = arith.addf %add3A_300, %add3A_310 : vector<16xf32>
        %mul3A_322 = arith.constant 5.000000e-01 : f32
        %mul3A_323 = vector.broadcast %mul3A_322 : f32 to vector<16xf32>
        %mul3A_324 = arith.mulf %add3A_321, %mul3A_323 : vector<16xf32>
        %get3A_325 = arith.index_cast %scan3A_191 : i32 to index
        %get3A_326 = arith.constant 32 : index
        %get3A_327 = tpu.vector_load %arg19[%get3A_325, %get3A_326] {strides = array<i32>} : memref<80x64xf32, #tpu.memory_space<vmem>>, vector<1x16xf32>,
        %get3A_328 = vector.shape_cast %get3A_327 : vector<1x16xf32> to vector<16xf32>
        %add3A_329 = arith.addf %mul3A_324, %get3A_328 : vector<16xf32>
        %swap3A_330 = arith.index_cast %scan3A_191 : i32 to index
        %swap3A_331 = arith.constant 32 : index
        %swap3A_332 = tpu.vector_load %arg20[%swap3A_330, %swap3A_331] {strides = array<i32>} : memref<80x64xf32, #tpu.memory_space<vmem>>, vector<1x16xf32>,
        %swap3A_333 = vector.shape_cast %swap3A_332 : vector<1x16xf32> to vector<16xf32>
        %swap3A_334 = vector.shape_cast %add3A_329 : vector<16xf32> to vector<1x16xf32>
        tpu.vector_store %arg20[%swap3A_330, %swap3A_331], %swap3A_334 {strides = array<i32>} : memref<80x64xf32, #tpu.memory_space<vmem>>, vector<1x16xf32>,
        %get3A_335 = arith.index_cast %scan3A_191 : i32 to index
        %get3A_336 = arith.constant 48 : index
        %get3A_337 = tpu.vector_load %arg18[%get3A_335, %get3A_336] {strides = array<i32>} : memref<80x64xf32, #tpu.memory_space<vmem>>, vector<1x16xf32>,
        %get3A_338 = vector.shape_cast %get3A_337 : vector<1x16xf32> to vector<16xf32>
        %get3A_339 = arith.index_cast %scan3A_191 : i32 to index
        %get3A_340 = arith.constant 48 : index
        %get3A_341 = tpu.vector_load %arg14[%get3A_339, %get3A_340] {strides = array<i32>} : memref<80x64xf32, #tpu.memory_space<vmem>>, vector<1x16xf32>,
        %get3A_342 = vector.shape_cast %get3A_341 : vector<1x16xf32> to vector<16xf32>
        %get3A_343 = arith.index_cast %scan3A_191 : i32 to index
        %get3A_344 = arith.constant 48 : index
        %get3A_345 = tpu.vector_load %arg17[%get3A_343, %get3A_344] {strides = array<i32>} : memref<80x64xf32, #tpu.memory_space<vmem>>, vector<1x16xf32>,
        %get3A_346 = vector.shape_cast %get3A_345 : vector<1x16xf32> to vector<16xf32>
        %add3A_347 = arith.addf %get3A_342, %get3A_346 : vector<16xf32>
        %add3A_348 = arith.addf %add3A_347, %get3A_338 : vector<16xf32>
        %get3A_349 = arith.index_cast %scan3A_191 : i32 to index
        %get3A_350 = arith.constant 48 : index
        %get3A_351 = tpu.vector_load %arg15[%get3A_349, %get3A_350] {strides = array<i32>} : memref<80x64xf32, #tpu.memory_space<vmem>>, vector<1x16xf32>,
        %get3A_352 = vector.shape_cast %get3A_351 : vector<1x16xf32> to vector<16xf32>
        %get3A_353 = arith.index_cast %scan3A_191 : i32 to index
        %get3A_354 = arith.constant 48 : index
        %get3A_355 = tpu.vector_load %arg16[%get3A_353, %get3A_354] {strides = array<i32>} : memref<80x64xf32, #tpu.memory_space<vmem>>, vector<1x16xf32>,
        %get3A_356 = vector.shape_cast %get3A_355 : vector<1x16xf32> to vector<16xf32>
        %add3A_357 = arith.addf %get3A_352, %get3A_356 : vector<16xf32>
        %add3A_358 = arith.addf %add3A_357, %get3A_338 : vector<16xf32>
        %swap3A_359 = arith.index_cast %scan3A_191 : i32 to index
        %swap3A_360 = arith.constant 48 : index
        %swap3A_361 = tpu.vector_load %arg21[%swap3A_359, %swap3A_360] {strides = array<i32>} : memref<80x80xf32, #tpu.memory_space<vmem>>, vector<1x16xf32>,
        %swap3A_362 = vector.shape_cast %swap3A_361 : vector<1x16xf32> to vector<16xf32>
        %swap3A_363 = vector.shape_cast %add3A_348 : vector<16xf32> to vector<1x16xf32>
        tpu.vector_store %arg21[%swap3A_359, %swap3A_360], %swap3A_363 {strides = array<i32>} : memref<80x80xf32, #tpu.memory_space<vmem>>, vector<1x16xf32>,
        %swap3A_364 = arith.index_cast %scan3A_191 : i32 to index
        %swap3A_365 = arith.constant 48 : index
        %swap3A_366 = tpu.vector_load %arg22[%swap3A_364, %swap3A_365] {strides = array<i32>} : memref<80x80xf32, #tpu.memory_space<vmem>>, vector<1x16xf32>,
        %swap3A_367 = vector.shape_cast %swap3A_366 : vector<1x16xf32> to vector<16xf32>
        %swap3A_368 = vector.shape_cast %add3A_358 : vector<16xf32> to vector<1x16xf32>
        tpu.vector_store %arg22[%swap3A_364, %swap3A_365], %swap3A_368 {strides = array<i32>} : memref<80x80xf32, #tpu.memory_space<vmem>>, vector<1x16xf32>,
        %add3A_369 = arith.addf %add3A_348, %add3A_358 : vector<16xf32>
        %mul3A_370 = arith.constant 5.000000e-01 : f32
        %mul3A_371 = vector.broadcast %mul3A_370 : f32 to vector<16xf32>
        %mul3A_372 = arith.mulf %add3A_369, %mul3A_371 : vector<16xf32>
        %get3A_373 = arith.index_cast %scan3A_191 : i32 to index
        %get3A_374 = arith.constant 48 : index
        %get3A_375 = tpu.vector_load %arg19[%get3A_373, %get3A_374] {strides = array<i32>} : memref<80x64xf32, #tpu.memory_space<vmem>>, vector<1x16xf32>,
        %get3A_376 = vector.shape_cast %get3A_375 : vector<1x16xf32> to vector<16xf32>
        %add3A_377 = arith.addf %mul3A_372, %get3A_376 : vector<16xf32>
        %swap3A_378 = arith.index_cast %scan3A_191 : i32 to index
        %swap3A_379 = arith.constant 48 : index
        %swap3A_380 = tpu.vector_load %arg20[%swap3A_378, %swap3A_379] {strides = array<i32>} : memref<80x64xf32, #tpu.memory_space<vmem>>, vector<1x16xf32>,
        %swap3A_381 = vector.shape_cast %swap3A_380 : vector<1x16xf32> to vector<16xf32>
        %swap3A_382 = vector.shape_cast %add3A_377 : vector<16xf32> to vector<1x16xf32>
        tpu.vector_store %arg20[%swap3A_378, %swap3A_379], %swap3A_382 {strides = array<i32>} : memref<80x64xf32, #tpu.memory_space<vmem>>, vector<1x16xf32>,
        %scan3A_383 = arith.constant 0 : i32
        scf.yield %scan3A_383 : i32
      }
      %scan3A_189 = arith.constant 80 : i32
      "tpu.region"() ({
        %run_scoped3A = tpu.sem_alloc : memref<!tpu.dma_semaphore, #tpu.memory_space<semaphore_mem>>
        %dma_start3A_191 = arith.constant 0 : i32
        %dma_start3A_192 = arith.constant 0 : i32
        %dma_start3A_193 = tpu.memref_slice %arg24[%dma_start3A_191, %dma_start3A_192] : memref<10000x80xf32, #tpu.memory_space<vmem_shared>> -> memref<10000x80xf32, #tpu.memory_space<vmem_shared>>
        tpu.enqueue_indirect_dma source(%arg21 : memref<80x80xf32, #tpu.memory_space<vmem>>) target(%dma_start3A_193 : memref<10000x80xf32, #tpu.memory_space<vmem_shared>>) offsets(%arg11 : memref<80xi32, #tpu.memory_space<vmem>>) semaphore(%run_scoped3A : memref<!tpu.dma_semaphore, #tpu.memory_space<semaphore_mem>>) {add = true}
        %dma_wait3A_194 = arith.constant 0 : i32
        %dma_wait3A_195 = arith.constant 0 : i32
        %dma_wait3A_196 = tpu.memref_slice %arg24[%dma_wait3A_194, %dma_wait3A_195] : memref<10000x80xf32, #tpu.memory_space<vmem_shared>> -> memref<10000x80xf32, #tpu.memory_space<vmem_shared>>
        tpu.wait_indirect_dma semaphore(%run_scoped3A : memref<!tpu.dma_semaphore, #tpu.memory_space<semaphore_mem>>) src(%arg21 : memref<80x80xf32, #tpu.memory_space<vmem>>) dst(%dma_wait3A_196 : memref<10000x80xf32, #tpu.memory_space<vmem_shared>>)
        tpu.yield
      }) : () -> ()
      "tpu.region"() ({
        %run_scoped3A = tpu.sem_alloc : memref<!tpu.dma_semaphore, #tpu.memory_space<semaphore_mem>>
        %dma_start3A_191 = arith.constant 0 : i32
        %dma_start3A_192 = arith.constant 0 : i32
        %dma_start3A_193 = tpu.memref_slice %arg24[%dma_start3A_191, %dma_start3A_192] : memref<10000x80xf32, #tpu.memory_space<vmem_shared>> -> memref<10000x80xf32, #tpu.memory_space<vmem_shared>>
        tpu.enqueue_indirect_dma source(%arg22 : memref<80x80xf32, #tpu.memory_space<vmem>>) target(%dma_start3A_193 : memref<10000x80xf32, #tpu.memory_space<vmem_shared>>) offsets(%arg10 : memref<80xi32, #tpu.memory_space<vmem>>) semaphore(%run_scoped3A : memref<!tpu.dma_semaphore, #tpu.memory_space<semaphore_mem>>) {add = true}
        %dma_wait3A_194 = arith.constant 0 : i32
        %dma_wait3A_195 = arith.constant 0 : i32
        %dma_wait3A_196 = tpu.memref_slice %arg24[%dma_wait3A_194, %dma_wait3A_195] : memref<10000x80xf32, #tpu.memory_space<vmem_shared>> -> memref<10000x80xf32, #tpu.memory_space<vmem_shared>>
        tpu.wait_indirect_dma semaphore(%run_scoped3A : memref<!tpu.dma_semaphore, #tpu.memory_space<semaphore_mem>>) src(%arg22 : memref<80x80xf32, #tpu.memory_space<vmem>>) dst(%dma_wait3A_196 : memref<10000x80xf32, #tpu.memory_space<vmem_shared>>)
        tpu.yield
      }) : () -> ()
      "tpu.region"() ({
        %run_scoped3A = tpu.sem_alloc : memref<!tpu.dma_semaphore, #tpu.memory_space<semaphore_mem>>
        %dma_start3A_191 = tpu.memref_slice %arg8[%add3A_145, %mul3A_0] : memref<320000x128xf32, #tpu.memory_space<hbm>> -> memref<80x64xf32, #tpu.memory_space<hbm>>
        %dma_start3A_192 = tpu.memref_slice %arg8[%add3A_145, %mul3A_0] : memref<320000x128xf32, #tpu.memory_space<hbm>> -> memref<80x64xf32, #tpu.memory_space<hbm>>
        tpu.enqueue_dma source(%arg20 : memref<80x64xf32, #tpu.memory_space<vmem>>) target(%dma_start3A_192 : memref<80x64xf32, #tpu.memory_space<hbm>>) target_semaphore(%run_scoped3A : memref<!tpu.dma_semaphore, #tpu.memory_space<semaphore_mem>>)
        %dma_wait3A_193 = tpu.memref_slice %arg8[%add3A_145, %mul3A_0] : memref<320000x128xf32, #tpu.memory_space<hbm>> -> memref<80x64xf32, #tpu.memory_space<hbm>>
        %dma_wait3A_194 = tpu.memref_slice %arg8[%add3A_145, %mul3A_0] : memref<320000x128xf32, #tpu.memory_space<hbm>> -> memref<80x64xf32, #tpu.memory_space<hbm>>
        tpu.wait_dma2 semaphore(%run_scoped3A : memref<!tpu.dma_semaphore, #tpu.memory_space<semaphore_mem>>) src(%arg20 : memref<80x64xf32, #tpu.memory_space<vmem>>) dst(%dma_wait3A_194 : memref<80x64xf32, #tpu.memory_space<hbm>>)
        tpu.yield
      }) : () -> ()
      %scan3A_190 = arith.constant 0 : i32
      scf.yield %scan3A_190 : i32
    }
    %scan3A_81 = arith.constant 250 : i32
    %barrier3A_82 = arith.constant 0 : index
    tpu.barrier barrier_id(%barrier3A_82)
    %add3A_83 = arith.constant 0 : i32
    %add3A_84 = arith.addi %arg1, %add3A_83 : i32
    %lt3A_85 = arith.constant 125 : i32
    %lt3A_86 = arith.cmpi slt, %add3A_84, %lt3A_85 : i32
    %convert_element_type3A_87 = arith.extui %lt3A_86 : i1 to i32
    %cond3A_88 = arith.constant 0 : i32
    %cond3A_89 = arith.cmpi ne, %convert_element_type3A_87, %cond3A_88 : i32
    scf.if %cond3A_89 {
      %mul3A_139 = arith.constant 80 : i32
      %mul3A_140 = arith.muli %add3A_84, %mul3A_139 : i32
      %mul3A_141 = arith.constant 80 : i32
      %mul3A_142 = arith.muli %add3A_84, %mul3A_141 : i32
      "tpu.region"() ({
        %run_scoped3A = tpu.sem_alloc : memref<!tpu.dma_semaphore, #tpu.memory_space<semaphore_mem>>
        %dma_start3A = arith.constant 0 : i32
        %dma_start3A_143 = tpu.memref_slice %arg9[%arg0, %mul3A_142, %dma_start3A] : memref<2x10000x128xf32, #tpu.memory_space<hbm>> -> memref<1x80x80xf32, #tpu.memory_space<hbm>>
        %dma_start3A_144 = tpu.memref_squeeze %dma_start3A_143 : memref<1x80x80xf32, #tpu.memory_space<hbm>> -> memref<80x80xf32, #tpu.memory_space<hbm>>
        %dma_start3A_145 = arith.constant 0 : i32
        %dma_start3A_146 = tpu.memref_slice %arg24[%mul3A_140, %dma_start3A_145] : memref<10000x80xf32, #tpu.memory_space<vmem_shared>> -> memref<80x80xf32, #tpu.memory_space<vmem_shared>>
        tpu.enqueue_dma source(%dma_start3A_146 : memref<80x80xf32, #tpu.memory_space<vmem_shared>>) target(%dma_start3A_144 : memref<80x80xf32, #tpu.memory_space<hbm>>) target_semaphore(%run_scoped3A : memref<!tpu.dma_semaphore, #tpu.memory_space<semaphore_mem>>)
        %dma_wait3A = arith.constant 0 : i32
        %dma_wait3A_147 = tpu.memref_slice %arg9[%arg0, %mul3A_142, %dma_wait3A] : memref<2x10000x128xf32, #tpu.memory_space<hbm>> -> memref<1x80x80xf32, #tpu.memory_space<hbm>>
        %dma_wait3A_148 = tpu.memref_squeeze %dma_wait3A_147 : memref<1x80x80xf32, #tpu.memory_space<hbm>> -> memref<80x80xf32, #tpu.memory_space<hbm>>
        %dma_wait3A_149 = arith.constant 0 : i32
        %dma_wait3A_150 = tpu.memref_slice %arg24[%mul3A_140, %dma_wait3A_149] : memref<10000x80xf32, #tpu.memory_space<vmem_shared>> -> memref<80x80xf32, #tpu.memory_space<vmem_shared>>
        tpu.wait_dma2 semaphore(%run_scoped3A : memref<!tpu.dma_semaphore, #tpu.memory_space<semaphore_mem>>) src(%dma_wait3A_150 : memref<80x80xf32, #tpu.memory_space<vmem_shared>>) dst(%dma_wait3A_148 : memref<80x80xf32, #tpu.memory_space<hbm>>)
        tpu.yield
      }) : () -> ()
    } else {
    }
    %add3A_90 = arith.constant 16 : i32
    %add3A_91 = arith.addi %arg1, %add3A_90 : i32
    %lt3A_92 = arith.constant 125 : i32
    %lt3A_93 = arith.cmpi slt, %add3A_91, %lt3A_92 : i32
    %convert_element_type3A_94 = arith.extui %lt3A_93 : i1 to i32
    %cond3A_95 = arith.constant 0 : i32
    %cond3A_96 = arith.cmpi ne, %convert_element_type3A_94, %cond3A_95 : i32
    scf.if %cond3A_96 {
      %mul3A_139 = arith.constant 80 : i32
      %mul3A_140 = arith.muli %add3A_91, %mul3A_139 : i32
      %mul3A_141 = arith.constant 80 : i32
      %mul3A_142 = arith.muli %add3A_91, %mul3A_141 : i32
      "tpu.region"() ({
        %run_scoped3A = tpu.sem_alloc : memref<!tpu.dma_semaphore, #tpu.memory_space<semaphore_mem>>
        %dma_start3A = arith.constant 0 : i32
        %dma_start3A_143 = tpu.memref_slice %arg9[%arg0, %mul3A_142, %dma_start3A] : memref<2x10000x128xf32, #tpu.memory_space<hbm>> -> memref<1x80x80xf32, #tpu.memory_space<hbm>>
        %dma_start3A_144 = tpu.memref_squeeze %dma_start3A_143 : memref<1x80x80xf32, #tpu.memory_space<hbm>> -> memref<80x80xf32, #tpu.memory_space<hbm>>
        %dma_start3A_145 = arith.constant 0 : i32
        %dma_start3A_146 = tpu.memref_slice %arg24[%mul3A_140, %dma_start3A_145] : memref<10000x80xf32, #tpu.memory_space<vmem_shared>> -> memref<80x80xf32, #tpu.memory_space<vmem_shared>>
        tpu.enqueue_dma source(%dma_start3A_146 : memref<80x80xf32, #tpu.memory_space<vmem_shared>>) target(%dma_start3A_144 : memref<80x80xf32, #tpu.memory_space<hbm>>) target_semaphore(%run_scoped3A : memref<!tpu.dma_semaphore, #tpu.memory_space<semaphore_mem>>)
        %dma_wait3A = arith.constant 0 : i32
        %dma_wait3A_147 = tpu.memref_slice %arg9[%arg0, %mul3A_142, %dma_wait3A] : memref<2x10000x128xf32, #tpu.memory_space<hbm>> -> memref<1x80x80xf32, #tpu.memory_space<hbm>>
        %dma_wait3A_148 = tpu.memref_squeeze %dma_wait3A_147 : memref<1x80x80xf32, #tpu.memory_space<hbm>> -> memref<80x80xf32, #tpu.memory_space<hbm>>
        %dma_wait3A_149 = arith.constant 0 : i32
        %dma_wait3A_150 = tpu.memref_slice %arg24[%mul3A_140, %dma_wait3A_149] : memref<10000x80xf32, #tpu.memory_space<vmem_shared>> -> memref<80x80xf32, #tpu.memory_space<vmem_shared>>
        tpu.wait_dma2 semaphore(%run_scoped3A : memref<!tpu.dma_semaphore, #tpu.memory_space<semaphore_mem>>) src(%dma_wait3A_150 : memref<80x80xf32, #tpu.memory_space<vmem_shared>>) dst(%dma_wait3A_148 : memref<80x80xf32, #tpu.memory_space<hbm>>)
        tpu.yield
      }) : () -> ()
    } else {
    }
    %add3A_97 = arith.constant 32 : i32
    %add3A_98 = arith.addi %arg1, %add3A_97 : i32
    %lt3A_99 = arith.constant 125 : i32
    %lt3A_100 = arith.cmpi slt, %add3A_98, %lt3A_99 : i32
    %convert_element_type3A_101 = arith.extui %lt3A_100 : i1 to i32
    %cond3A_102 = arith.constant 0 : i32
    %cond3A_103 = arith.cmpi ne, %convert_element_type3A_101, %cond3A_102 : i32
    scf.if %cond3A_103 {
      %mul3A_139 = arith.constant 80 : i32
      %mul3A_140 = arith.muli %add3A_98, %mul3A_139 : i32
      %mul3A_141 = arith.constant 80 : i32
      %mul3A_142 = arith.muli %add3A_98, %mul3A_141 : i32
      "tpu.region"() ({
        %run_scoped3A = tpu.sem_alloc : memref<!tpu.dma_semaphore, #tpu.memory_space<semaphore_mem>>
        %dma_start3A = arith.constant 0 : i32
        %dma_start3A_143 = tpu.memref_slice %arg9[%arg0, %mul3A_142, %dma_start3A] : memref<2x10000x128xf32, #tpu.memory_space<hbm>> -> memref<1x80x80xf32, #tpu.memory_space<hbm>>
        %dma_start3A_144 = tpu.memref_squeeze %dma_start3A_143 : memref<1x80x80xf32, #tpu.memory_space<hbm>> -> memref<80x80xf32, #tpu.memory_space<hbm>>
        %dma_start3A_145 = arith.constant 0 : i32
        %dma_start3A_146 = tpu.memref_slice %arg24[%mul3A_140, %dma_start3A_145] : memref<10000x80xf32, #tpu.memory_space<vmem_shared>> -> memref<80x80xf32, #tpu.memory_space<vmem_shared>>
        tpu.enqueue_dma source(%dma_start3A_146 : memref<80x80xf32, #tpu.memory_space<vmem_shared>>) target(%dma_start3A_144 : memref<80x80xf32, #tpu.memory_space<hbm>>) target_semaphore(%run_scoped3A : memref<!tpu.dma_semaphore, #tpu.memory_space<semaphore_mem>>)
        %dma_wait3A = arith.constant 0 : i32
        %dma_wait3A_147 = tpu.memref_slice %arg9[%arg0, %mul3A_142, %dma_wait3A] : memref<2x10000x128xf32, #tpu.memory_space<hbm>> -> memref<1x80x80xf32, #tpu.memory_space<hbm>>
        %dma_wait3A_148 = tpu.memref_squeeze %dma_wait3A_147 : memref<1x80x80xf32, #tpu.memory_space<hbm>> -> memref<80x80xf32, #tpu.memory_space<hbm>>
        %dma_wait3A_149 = arith.constant 0 : i32
        %dma_wait3A_150 = tpu.memref_slice %arg24[%mul3A_140, %dma_wait3A_149] : memref<10000x80xf32, #tpu.memory_space<vmem_shared>> -> memref<80x80xf32, #tpu.memory_space<vmem_shared>>
        tpu.wait_dma2 semaphore(%run_scoped3A : memref<!tpu.dma_semaphore, #tpu.memory_space<semaphore_mem>>) src(%dma_wait3A_150 : memref<80x80xf32, #tpu.memory_space<vmem_shared>>) dst(%dma_wait3A_148 : memref<80x80xf32, #tpu.memory_space<hbm>>)
        tpu.yield
      }) : () -> ()
    } else {
    }
    %add3A_104 = arith.constant 48 : i32
    %add3A_105 = arith.addi %arg1, %add3A_104 : i32
    %lt3A_106 = arith.constant 125 : i32
    %lt3A_107 = arith.cmpi slt, %add3A_105, %lt3A_106 : i32
    %convert_element_type3A_108 = arith.extui %lt3A_107 : i1 to i32
    %cond3A_109 = arith.constant 0 : i32
    %cond3A_110 = arith.cmpi ne, %convert_element_type3A_108, %cond3A_109 : i32
    scf.if %cond3A_110 {
      %mul3A_139 = arith.constant 80 : i32
      %mul3A_140 = arith.muli %add3A_105, %mul3A_139 : i32
      %mul3A_141 = arith.constant 80 : i32
      %mul3A_142 = arith.muli %add3A_105, %mul3A_141 : i32
      "tpu.region"() ({
        %run_scoped3A = tpu.sem_alloc : memref<!tpu.dma_semaphore, #tpu.memory_space<semaphore_mem>>
        %dma_start3A = arith.constant 0 : i32
        %dma_start3A_143 = tpu.memref_slice %arg9[%arg0, %mul3A_142, %dma_start3A] : memref<2x10000x128xf32, #tpu.memory_space<hbm>> -> memref<1x80x80xf32, #tpu.memory_space<hbm>>
        %dma_start3A_144 = tpu.memref_squeeze %dma_start3A_143 : memref<1x80x80xf32, #tpu.memory_space<hbm>> -> memref<80x80xf32, #tpu.memory_space<hbm>>
        %dma_start3A_145 = arith.constant 0 : i32
        %dma_start3A_146 = tpu.memref_slice %arg24[%mul3A_140, %dma_start3A_145] : memref<10000x80xf32, #tpu.memory_space<vmem_shared>> -> memref<80x80xf32, #tpu.memory_space<vmem_shared>>
        tpu.enqueue_dma source(%dma_start3A_146 : memref<80x80xf32, #tpu.memory_space<vmem_shared>>) target(%dma_start3A_144 : memref<80x80xf32, #tpu.memory_space<hbm>>) target_semaphore(%run_scoped3A : memref<!tpu.dma_semaphore, #tpu.memory_space<semaphore_mem>>)
        %dma_wait3A = arith.constant 0 : i32
        %dma_wait3A_147 = tpu.memref_slice %arg9[%arg0, %mul3A_142, %dma_wait3A] : memref<2x10000x128xf32, #tpu.memory_space<hbm>> -> memref<1x80x80xf32, #tpu.memory_space<hbm>>
        %dma_wait3A_148 = tpu.memref_squeeze %dma_wait3A_147 : memref<1x80x80xf32, #tpu.memory_space<hbm>> -> memref<80x80xf32, #tpu.memory_space<hbm>>
        %dma_wait3A_149 = arith.constant 0 : i32
        %dma_wait3A_150 = tpu.memref_slice %arg24[%mul3A_140, %dma_wait3A_149] : memref<10000x80xf32, #tpu.memory_space<vmem_shared>> -> memref<80x80xf32, #tpu.memory_space<vmem_shared>>
        tpu.wait_dma2 semaphore(%run_scoped3A : memref<!tpu.dma_semaphore, #tpu.memory_space<semaphore_mem>>) src(%dma_wait3A_150 : memref<80x80xf32, #tpu.memory_space<vmem_shared>>) dst(%dma_wait3A_148 : memref<80x80xf32, #tpu.memory_space<hbm>>)
        tpu.yield
      }) : () -> ()
    } else {
    }
    %add3A_111 = arith.constant 64 : i32
    %add3A_112 = arith.addi %arg1, %add3A_111 : i32
    %lt3A_113 = arith.constant 125 : i32
    %lt3A_114 = arith.cmpi slt, %add3A_112, %lt3A_113 : i32
    %convert_element_type3A_115 = arith.extui %lt3A_114 : i1 to i32
    %cond3A_116 = arith.constant 0 : i32
    %cond3A_117 = arith.cmpi ne, %convert_element_type3A_115, %cond3A_116 : i32
    scf.if %cond3A_117 {
      %mul3A_139 = arith.constant 80 : i32
      %mul3A_140 = arith.muli %add3A_112, %mul3A_139 : i32
      %mul3A_141 = arith.constant 80 : i32
      %mul3A_142 = arith.muli %add3A_112, %mul3A_141 : i32
      "tpu.region"() ({
        %run_scoped3A = tpu.sem_alloc : memref<!tpu.dma_semaphore, #tpu.memory_space<semaphore_mem>>
        %dma_start3A = arith.constant 0 : i32
        %dma_start3A_143 = tpu.memref_slice %arg9[%arg0, %mul3A_142, %dma_start3A] : memref<2x10000x128xf32, #tpu.memory_space<hbm>> -> memref<1x80x80xf32, #tpu.memory_space<hbm>>
        %dma_start3A_144 = tpu.memref_squeeze %dma_start3A_143 : memref<1x80x80xf32, #tpu.memory_space<hbm>> -> memref<80x80xf32, #tpu.memory_space<hbm>>
        %dma_start3A_145 = arith.constant 0 : i32
        %dma_start3A_146 = tpu.memref_slice %arg24[%mul3A_140, %dma_start3A_145] : memref<10000x80xf32, #tpu.memory_space<vmem_shared>> -> memref<80x80xf32, #tpu.memory_space<vmem_shared>>
        tpu.enqueue_dma source(%dma_start3A_146 : memref<80x80xf32, #tpu.memory_space<vmem_shared>>) target(%dma_start3A_144 : memref<80x80xf32, #tpu.memory_space<hbm>>) target_semaphore(%run_scoped3A : memref<!tpu.dma_semaphore, #tpu.memory_space<semaphore_mem>>)
        %dma_wait3A = arith.constant 0 : i32
        %dma_wait3A_147 = tpu.memref_slice %arg9[%arg0, %mul3A_142, %dma_wait3A] : memref<2x10000x128xf32, #tpu.memory_space<hbm>> -> memref<1x80x80xf32, #tpu.memory_space<hbm>>
        %dma_wait3A_148 = tpu.memref_squeeze %dma_wait3A_147 : memref<1x80x80xf32, #tpu.memory_space<hbm>> -> memref<80x80xf32, #tpu.memory_space<hbm>>
        %dma_wait3A_149 = arith.constant 0 : i32
        %dma_wait3A_150 = tpu.memref_slice %arg24[%mul3A_140, %dma_wait3A_149] : memref<10000x80xf32, #tpu.memory_space<vmem_shared>> -> memref<80x80xf32, #tpu.memory_space<vmem_shared>>
        tpu.wait_dma2 semaphore(%run_scoped3A : memref<!tpu.dma_semaphore, #tpu.memory_space<semaphore_mem>>) src(%dma_wait3A_150 : memref<80x80xf32, #tpu.memory_space<vmem_shared>>) dst(%dma_wait3A_148 : memref<80x80xf32, #tpu.memory_space<hbm>>)
        tpu.yield
      }) : () -> ()
    } else {
    }
    %add3A_118 = arith.constant 80 : i32
    %add3A_119 = arith.addi %arg1, %add3A_118 : i32
    %lt3A_120 = arith.constant 125 : i32
    %lt3A_121 = arith.cmpi slt, %add3A_119, %lt3A_120 : i32
    %convert_element_type3A_122 = arith.extui %lt3A_121 : i1 to i32
    %cond3A_123 = arith.constant 0 : i32
    %cond3A_124 = arith.cmpi ne, %convert_element_type3A_122, %cond3A_123 : i32
    scf.if %cond3A_124 {
      %mul3A_139 = arith.constant 80 : i32
      %mul3A_140 = arith.muli %add3A_119, %mul3A_139 : i32
      %mul3A_141 = arith.constant 80 : i32
      %mul3A_142 = arith.muli %add3A_119, %mul3A_141 : i32
      "tpu.region"() ({
        %run_scoped3A = tpu.sem_alloc : memref<!tpu.dma_semaphore, #tpu.memory_space<semaphore_mem>>
        %dma_start3A = arith.constant 0 : i32
        %dma_start3A_143 = tpu.memref_slice %arg9[%arg0, %mul3A_142, %dma_start3A] : memref<2x10000x128xf32, #tpu.memory_space<hbm>> -> memref<1x80x80xf32, #tpu.memory_space<hbm>>
        %dma_start3A_144 = tpu.memref_squeeze %dma_start3A_143 : memref<1x80x80xf32, #tpu.memory_space<hbm>> -> memref<80x80xf32, #tpu.memory_space<hbm>>
        %dma_start3A_145 = arith.constant 0 : i32
        %dma_start3A_146 = tpu.memref_slice %arg24[%mul3A_140, %dma_start3A_145] : memref<10000x80xf32, #tpu.memory_space<vmem_shared>> -> memref<80x80xf32, #tpu.memory_space<vmem_shared>>
        tpu.enqueue_dma source(%dma_start3A_146 : memref<80x80xf32, #tpu.memory_space<vmem_shared>>) target(%dma_start3A_144 : memref<80x80xf32, #tpu.memory_space<hbm>>) target_semaphore(%run_scoped3A : memref<!tpu.dma_semaphore, #tpu.memory_space<semaphore_mem>>)
        %dma_wait3A = arith.constant 0 : i32
        %dma_wait3A_147 = tpu.memref_slice %arg9[%arg0, %mul3A_142, %dma_wait3A] : memref<2x10000x128xf32, #tpu.memory_space<hbm>> -> memref<1x80x80xf32, #tpu.memory_space<hbm>>
        %dma_wait3A_148 = tpu.memref_squeeze %dma_wait3A_147 : memref<1x80x80xf32, #tpu.memory_space<hbm>> -> memref<80x80xf32, #tpu.memory_space<hbm>>
        %dma_wait3A_149 = arith.constant 0 : i32
        %dma_wait3A_150 = tpu.memref_slice %arg24[%mul3A_140, %dma_wait3A_149] : memref<10000x80xf32, #tpu.memory_space<vmem_shared>> -> memref<80x80xf32, #tpu.memory_space<vmem_shared>>
        tpu.wait_dma2 semaphore(%run_scoped3A : memref<!tpu.dma_semaphore, #tpu.memory_space<semaphore_mem>>) src(%dma_wait3A_150 : memref<80x80xf32, #tpu.memory_space<vmem_shared>>) dst(%dma_wait3A_148 : memref<80x80xf32, #tpu.memory_space<hbm>>)
        tpu.yield
      }) : () -> ()
    } else {
    }
    %add3A_125 = arith.constant 96 : i32
    %add3A_126 = arith.addi %arg1, %add3A_125 : i32
    %lt3A_127 = arith.constant 125 : i32
    %lt3A_128 = arith.cmpi slt, %add3A_126, %lt3A_127 : i32
    %convert_element_type3A_129 = arith.extui %lt3A_128 : i1 to i32
    %cond3A_130 = arith.constant 0 : i32
    %cond3A_131 = arith.cmpi ne, %convert_element_type3A_129, %cond3A_130 : i32
    scf.if %cond3A_131 {
      %mul3A_139 = arith.constant 80 : i32
      %mul3A_140 = arith.muli %add3A_126, %mul3A_139 : i32
      %mul3A_141 = arith.constant 80 : i32
      %mul3A_142 = arith.muli %add3A_126, %mul3A_141 : i32
      "tpu.region"() ({
        %run_scoped3A = tpu.sem_alloc : memref<!tpu.dma_semaphore, #tpu.memory_space<semaphore_mem>>
        %dma_start3A = arith.constant 0 : i32
        %dma_start3A_143 = tpu.memref_slice %arg9[%arg0, %mul3A_142, %dma_start3A] : memref<2x10000x128xf32, #tpu.memory_space<hbm>> -> memref<1x80x80xf32, #tpu.memory_space<hbm>>
        %dma_start3A_144 = tpu.memref_squeeze %dma_start3A_143 : memref<1x80x80xf32, #tpu.memory_space<hbm>> -> memref<80x80xf32, #tpu.memory_space<hbm>>
        %dma_start3A_145 = arith.constant 0 : i32
        %dma_start3A_146 = tpu.memref_slice %arg24[%mul3A_140, %dma_start3A_145] : memref<10000x80xf32, #tpu.memory_space<vmem_shared>> -> memref<80x80xf32, #tpu.memory_space<vmem_shared>>
        tpu.enqueue_dma source(%dma_start3A_146 : memref<80x80xf32, #tpu.memory_space<vmem_shared>>) target(%dma_start3A_144 : memref<80x80xf32, #tpu.memory_space<hbm>>) target_semaphore(%run_scoped3A : memref<!tpu.dma_semaphore, #tpu.memory_space<semaphore_mem>>)
        %dma_wait3A = arith.constant 0 : i32
        %dma_wait3A_147 = tpu.memref_slice %arg9[%arg0, %mul3A_142, %dma_wait3A] : memref<2x10000x128xf32, #tpu.memory_space<hbm>> -> memref<1x80x80xf32, #tpu.memory_space<hbm>>
        %dma_wait3A_148 = tpu.memref_squeeze %dma_wait3A_147 : memref<1x80x80xf32, #tpu.memory_space<hbm>> -> memref<80x80xf32, #tpu.memory_space<hbm>>
        %dma_wait3A_149 = arith.constant 0 : i32
        %dma_wait3A_150 = tpu.memref_slice %arg24[%mul3A_140, %dma_wait3A_149] : memref<10000x80xf32, #tpu.memory_space<vmem_shared>> -> memref<80x80xf32, #tpu.memory_space<vmem_shared>>
        tpu.wait_dma2 semaphore(%run_scoped3A : memref<!tpu.dma_semaphore, #tpu.memory_space<semaphore_mem>>) src(%dma_wait3A_150 : memref<80x80xf32, #tpu.memory_space<vmem_shared>>) dst(%dma_wait3A_148 : memref<80x80xf32, #tpu.memory_space<hbm>>)
        tpu.yield
      }) : () -> ()
    } else {
    }
    %add3A_132 = arith.constant 112 : i32
    %add3A_133 = arith.addi %arg1, %add3A_132 : i32
    %lt3A_134 = arith.constant 125 : i32
    %lt3A_135 = arith.cmpi slt, %add3A_133, %lt3A_134 : i32
    %convert_element_type3A_136 = arith.extui %lt3A_135 : i1 to i32
    %cond3A_137 = arith.constant 0 : i32
    %cond3A_138 = arith.cmpi ne, %convert_element_type3A_136, %cond3A_137 : i32
    scf.if %cond3A_138 {
      %mul3A_139 = arith.constant 80 : i32
      %mul3A_140 = arith.muli %add3A_133, %mul3A_139 : i32
      %mul3A_141 = arith.constant 80 : i32
      %mul3A_142 = arith.muli %add3A_133, %mul3A_141 : i32
      "tpu.region"() ({
        %run_scoped3A = tpu.sem_alloc : memref<!tpu.dma_semaphore, #tpu.memory_space<semaphore_mem>>
        %dma_start3A = arith.constant 0 : i32
        %dma_start3A_143 = tpu.memref_slice %arg9[%arg0, %mul3A_142, %dma_start3A] : memref<2x10000x128xf32, #tpu.memory_space<hbm>> -> memref<1x80x80xf32, #tpu.memory_space<hbm>>
        %dma_start3A_144 = tpu.memref_squeeze %dma_start3A_143 : memref<1x80x80xf32, #tpu.memory_space<hbm>> -> memref<80x80xf32, #tpu.memory_space<hbm>>
        %dma_start3A_145 = arith.constant 0 : i32
        %dma_start3A_146 = tpu.memref_slice %arg24[%mul3A_140, %dma_start3A_145] : memref<10000x80xf32, #tpu.memory_space<vmem_shared>> -> memref<80x80xf32, #tpu.memory_space<vmem_shared>>
        tpu.enqueue_dma source(%dma_start3A_146 : memref<80x80xf32, #tpu.memory_space<vmem_shared>>) target(%dma_start3A_144 : memref<80x80xf32, #tpu.memory_space<hbm>>) target_semaphore(%run_scoped3A : memref<!tpu.dma_semaphore, #tpu.memory_space<semaphore_mem>>)
        %dma_wait3A = arith.constant 0 : i32
        %dma_wait3A_147 = tpu.memref_slice %arg9[%arg0, %mul3A_142, %dma_wait3A] : memref<2x10000x128xf32, #tpu.memory_space<hbm>> -> memref<1x80x80xf32, #tpu.memory_space<hbm>>
        %dma_wait3A_148 = tpu.memref_squeeze %dma_wait3A_147 : memref<1x80x80xf32, #tpu.memory_space<hbm>> -> memref<80x80xf32, #tpu.memory_space<hbm>>
        %dma_wait3A_149 = arith.constant 0 : i32
        %dma_wait3A_150 = tpu.memref_slice %arg24[%mul3A_140, %dma_wait3A_149] : memref<10000x80xf32, #tpu.memory_space<vmem_shared>> -> memref<80x80xf32, #tpu.memory_space<vmem_shared>>
        tpu.wait_dma2 semaphore(%run_scoped3A : memref<!tpu.dma_semaphore, #tpu.memory_space<semaphore_mem>>) src(%dma_wait3A_150 : memref<80x80xf32, #tpu.memory_space<vmem_shared>>) dst(%dma_wait3A_148 : memref<80x80xf32, #tpu.memory_space<hbm>>)
        tpu.yield
      }) : () -> ()
    } else {
    }
    return
  }
}

module attributes {stable_mosaic.version = 14 : i64} {
  func.func @_node_mlp_body(%arg0: i32, %arg1: memref<2000x128xf32, #tpu.memory_space<vmem>>, %arg2: memref<128x64xf32, #tpu.memory_space<vmem>>, %arg3: memref<1x64xf32, #tpu.memory_space<vmem>>, %arg4: memref<64x128xf32, #tpu.memory_space<vmem>>, %arg5: memref<1x128xf32, #tpu.memory_space<vmem>>, %arg6: memref<128x128xf32, #tpu.memory_space<vmem>>, %arg7: memref<128x128xf32, #tpu.memory_space<vmem>>, %arg8: memref<2000x128xf32, #tpu.memory_space<vmem>>, %arg9: memref<2x2000x64xf32, #tpu.memory_space<vmem>>, %arg10: memref<2x2000x64xf32, #tpu.memory_space<vmem>>) attributes {dimension_semantics = [#tpu.dimension_semantics<arbitrary>], iteration_bounds = array<i64: 5>, scalar_prefetch = 0 : i64, scratch_operands = 0 : i64, tpu.core_type = #tpu.core_type<tc>, window_params = [{transform_indices = @transform_0, window_bounds = array<i64: 2000, 128>}, {pipeline_mode = #tpu.pipeline_mode<synchronous>, transform_indices = @transform_1, window_bounds = array<i64: 128, 64>}, {pipeline_mode = #tpu.pipeline_mode<synchronous>, transform_indices = @transform_2, window_bounds = array<i64: 1, 64>}, {pipeline_mode = #tpu.pipeline_mode<synchronous>, transform_indices = @transform_3, window_bounds = array<i64: 64, 128>}, {pipeline_mode = #tpu.pipeline_mode<synchronous>, transform_indices = @transform_4, window_bounds = array<i64: 1, 128>}, {pipeline_mode = #tpu.pipeline_mode<synchronous>, transform_indices = @transform_5, window_bounds = array<i64: 128, 128>}, {pipeline_mode = #tpu.pipeline_mode<synchronous>, transform_indices = @transform_6, window_bounds = array<i64: 128, 128>}, {transform_indices = @transform_7, window_bounds = array<i64: 2000, 128>}, {transform_indices = @transform_8, window_bounds = array<i64: 2, 2000, 64>}, {transform_indices = @transform_9, window_bounds = array<i64: 2, 2000, 64>}]} {
    %get3A = arith.constant 0 : index
    %get3A_0 = arith.constant 0 : index
    %get3A_1 = vector.load %arg1[%get3A, %get3A_0] : memref<2000x128xf32, #tpu.memory_space<vmem>>, vector<2000x128xf32>
    %get3A_2 = arith.constant 0 : index
    %get3A_3 = arith.constant 0 : index
    %get3A_4 = vector.load %arg2[%get3A_2, %get3A_3] : memref<128x64xf32, #tpu.memory_space<vmem>>, vector<128x64xf32>
    %dot_general3A = arith.constant dense<0.000000e+00> : vector<2000x64xf32>
    %dot_general3A_5 = tpu.matmul %get3A_1, %get3A_4, %dot_general3A {dimension_numbers = #tpu.dot_dimension_numbers<[1], [0], [0], [1], [0, 0, 1, 1], [], []>, transpose_lhs_hint = false} : vector<2000x128xf32>, vector<128x64xf32>, vector<2000x64xf32> -> vector<2000x64xf32>
    %get3A_6 = arith.constant 0 : index
    %get3A_7 = arith.constant 0 : index
    %get3A_8 = vector.load %arg3[%get3A_6, %get3A_7] : memref<1x64xf32, #tpu.memory_space<vmem>>, vector<1x64xf32>
    %add3A = vector.broadcast %get3A_8 : vector<1x64xf32> to vector<2000x64xf32>
    %add3A_9 = arith.addf %dot_general3A_5, %add3A : vector<2000x64xf32>
    %max3A = arith.constant 0.000000e+00 : f32
    %max3A_10 = vector.broadcast %max3A : f32 to vector<2000x64xf32>
    %max3A_11 = arith.maximumf %add3A_9, %max3A_10 : vector<2000x64xf32>
    %abs3A = math.absf %add3A_9 : vector<2000x64xf32>
    %neg3A = arith.constant 0.000000e+00 : f32
    %neg3A_12 = vector.broadcast %neg3A : f32 to vector<2000x64xf32>
    %neg3A_13 = arith.subf %neg3A_12, %abs3A : vector<2000x64xf32>
    %exp3A = math.exp %neg3A_13 : vector<2000x64xf32>
    %log1p3A = math.log1p %exp3A : vector<2000x64xf32>
    %add3A_14 = arith.addf %max3A_11, %log1p3A : vector<2000x64xf32>
    %log3A = arith.constant 2.000000e+00 : f32
    %log3A_15 = math.log %log3A : f32
    %sub3A = vector.broadcast %log3A_15 : f32 to vector<2000x64xf32>
    %sub3A_16 = arith.subf %add3A_14, %sub3A : vector<2000x64xf32>
    %get3A_17 = arith.constant 0 : index
    %get3A_18 = arith.constant 0 : index
    %get3A_19 = vector.load %arg4[%get3A_17, %get3A_18] : memref<64x128xf32, #tpu.memory_space<vmem>>, vector<64x128xf32>
    %dot_general3A_20 = arith.constant dense<0.000000e+00> : vector<2000x128xf32>
    %dot_general3A_21 = tpu.matmul %sub3A_16, %get3A_19, %dot_general3A_20 {dimension_numbers = #tpu.dot_dimension_numbers<[1], [0], [0], [1], [0, 0, 1, 1], [], []>, transpose_lhs_hint = false} : vector<2000x64xf32>, vector<64x128xf32>, vector<2000x128xf32> -> vector<2000x128xf32>
    %get3A_22 = arith.constant 0 : index
    %get3A_23 = arith.constant 0 : index
    %get3A_24 = vector.load %arg5[%get3A_22, %get3A_23] : memref<1x128xf32, #tpu.memory_space<vmem>>, vector<1x128xf32>
    %add3A_25 = vector.broadcast %get3A_24 : vector<1x128xf32> to vector<2000x128xf32>
    %add3A_26 = arith.addf %dot_general3A_21, %add3A_25 : vector<2000x128xf32>
    %max3A_27 = arith.constant 0.000000e+00 : f32
    %max3A_28 = vector.broadcast %max3A_27 : f32 to vector<2000x128xf32>
    %max3A_29 = arith.maximumf %add3A_26, %max3A_28 : vector<2000x128xf32>
    %abs3A_30 = math.absf %add3A_26 : vector<2000x128xf32>
    %neg3A_31 = arith.constant 0.000000e+00 : f32
    %neg3A_32 = vector.broadcast %neg3A_31 : f32 to vector<2000x128xf32>
    %neg3A_33 = arith.subf %neg3A_32, %abs3A_30 : vector<2000x128xf32>
    %exp3A_34 = math.exp %neg3A_33 : vector<2000x128xf32>
    %log1p3A_35 = math.log1p %exp3A_34 : vector<2000x128xf32>
    %add3A_36 = arith.addf %max3A_29, %log1p3A_35 : vector<2000x128xf32>
    %log3A_37 = arith.constant 2.000000e+00 : f32
    %log3A_38 = math.log %log3A_37 : f32
    %sub3A_39 = vector.broadcast %log3A_38 : f32 to vector<2000x128xf32>
    %sub3A_40 = arith.subf %add3A_36, %sub3A_39 : vector<2000x128xf32>
    %swap3A = arith.constant 0 : index
    %swap3A_41 = arith.constant 0 : index
    %swap3A_42 = vector.load %arg8[%swap3A, %swap3A_41] : memref<2000x128xf32, #tpu.memory_space<vmem>>, vector<2000x128xf32>
    tpu.vector_store %arg8[%swap3A, %swap3A_41], %sub3A_40 {strides = array<i32>} : memref<2000x128xf32, #tpu.memory_space<vmem>>, vector<2000x128xf32>,
    %get3A_43 = arith.constant 0 : index
    %get3A_44 = arith.constant 0 : index
    %get3A_45 = vector.load %arg6[%get3A_43, %get3A_44] : memref<128x128xf32, #tpu.memory_space<vmem>>, vector<128x128xf32>
    %dot_general3A_46 = arith.constant dense<0.000000e+00> : vector<2000x128xf32>
    %dot_general3A_47 = tpu.matmul %sub3A_40, %get3A_45, %dot_general3A_46 {dimension_numbers = #tpu.dot_dimension_numbers<[1], [0], [0], [1], [0, 0, 1, 1], [], []>, transpose_lhs_hint = false} : vector<2000x128xf32>, vector<128x128xf32>, vector<2000x128xf32> -> vector<2000x128xf32>
    %get3A_48 = arith.constant 0 : index
    %get3A_49 = arith.constant 0 : index
    %get3A_50 = vector.load %arg7[%get3A_48, %get3A_49] : memref<128x128xf32, #tpu.memory_space<vmem>>, vector<128x128xf32>
    %dot_general3A_51 = arith.constant dense<0.000000e+00> : vector<2000x128xf32>
    %dot_general3A_52 = tpu.matmul %sub3A_40, %get3A_50, %dot_general3A_51 {dimension_numbers = #tpu.dot_dimension_numbers<[1], [0], [0], [1], [0, 0, 1, 1], [], []>, transpose_lhs_hint = false} : vector<2000x128xf32>, vector<128x128xf32>, vector<2000x128xf32> -> vector<2000x128xf32>
    %slice3A = vector.extract_strided_slice %dot_general3A_47 {offsets = [0, 0], sizes = [2000, 64], strides = [1, 1]} : vector<2000x128xf32> to vector<2000x64xf32>
    %swap3A_53 = arith.constant 0 : index
    %swap3A_54 = arith.constant 0 : index
    %swap3A_55 = arith.constant 0 : index
    %swap3A_56 = vector.load %arg9[%swap3A_53, %swap3A_54, %swap3A_55] : memref<2x2000x64xf32, #tpu.memory_space<vmem>>, vector<1x2000x64xf32>
    %swap3A_57 = vector.shape_cast %swap3A_56 : vector<1x2000x64xf32> to vector<2000x64xf32>
    %swap3A_58 = vector.shape_cast %slice3A : vector<2000x64xf32> to vector<1x2000x64xf32>
    tpu.vector_store %arg9[%swap3A_53, %swap3A_54, %swap3A_55], %swap3A_58 {strides = array<i32>} : memref<2x2000x64xf32, #tpu.memory_space<vmem>>, vector<1x2000x64xf32>,
    %slice3A_59 = vector.extract_strided_slice %dot_general3A_47 {offsets = [0, 64], sizes = [2000, 64], strides = [1, 1]} : vector<2000x128xf32> to vector<2000x64xf32>
    %swap3A_60 = arith.constant 1 : index
    %swap3A_61 = arith.constant 0 : index
    %swap3A_62 = arith.constant 0 : index
    %swap3A_63 = vector.load %arg9[%swap3A_60, %swap3A_61, %swap3A_62] : memref<2x2000x64xf32, #tpu.memory_space<vmem>>, vector<1x2000x64xf32>
    %swap3A_64 = vector.shape_cast %swap3A_63 : vector<1x2000x64xf32> to vector<2000x64xf32>
    %swap3A_65 = vector.shape_cast %slice3A_59 : vector<2000x64xf32> to vector<1x2000x64xf32>
    tpu.vector_store %arg9[%swap3A_60, %swap3A_61, %swap3A_62], %swap3A_65 {strides = array<i32>} : memref<2x2000x64xf32, #tpu.memory_space<vmem>>, vector<1x2000x64xf32>,
    %slice3A_66 = vector.extract_strided_slice %dot_general3A_52 {offsets = [0, 0], sizes = [2000, 64], strides = [1, 1]} : vector<2000x128xf32> to vector<2000x64xf32>
    %swap3A_67 = arith.constant 0 : index
    %swap3A_68 = arith.constant 0 : index
    %swap3A_69 = arith.constant 0 : index
    %swap3A_70 = vector.load %arg10[%swap3A_67, %swap3A_68, %swap3A_69] : memref<2x2000x64xf32, #tpu.memory_space<vmem>>, vector<1x2000x64xf32>
    %swap3A_71 = vector.shape_cast %swap3A_70 : vector<1x2000x64xf32> to vector<2000x64xf32>
    %swap3A_72 = vector.shape_cast %slice3A_66 : vector<2000x64xf32> to vector<1x2000x64xf32>
    tpu.vector_store %arg10[%swap3A_67, %swap3A_68, %swap3A_69], %swap3A_72 {strides = array<i32>} : memref<2x2000x64xf32, #tpu.memory_space<vmem>>, vector<1x2000x64xf32>,
    %slice3A_73 = vector.extract_strided_slice %dot_general3A_52 {offsets = [0, 64], sizes = [2000, 64], strides = [1, 1]} : vector<2000x128xf32> to vector<2000x64xf32>
    %swap3A_74 = arith.constant 1 : index
    %swap3A_75 = arith.constant 0 : index
    %swap3A_76 = arith.constant 0 : index
    %swap3A_77 = vector.load %arg10[%swap3A_74, %swap3A_75, %swap3A_76] : memref<2x2000x64xf32, #tpu.memory_space<vmem>>, vector<1x2000x64xf32>
    %swap3A_78 = vector.shape_cast %swap3A_77 : vector<1x2000x64xf32> to vector<2000x64xf32>
    %swap3A_79 = vector.shape_cast %slice3A_73 : vector<2000x64xf32> to vector<1x2000x64xf32>
    tpu.vector_store %arg10[%swap3A_74, %swap3A_75, %swap3A_76], %swap3A_79 {strides = array<i32>} : memref<2x2000x64xf32, #tpu.memory_space<vmem>>, vector<1x2000x64xf32>,
    return
  }
  func.func @transform_0(%arg0: i32) -> (i32, i32) {
    %c0_i32 = arith.constant 0 : i32
    %c0_i32_0 = arith.constant 0 : i32
    return %arg0, %c0_i32 : i32, i32
  }
  func.func @transform_1(%arg0: i32) -> (i32, i32) {
    %c0_i32 = arith.constant 0 : i32
    %c0_i32_0 = arith.constant 0 : i32
    %c0_i32_1 = arith.constant 0 : i32
    return %c0_i32, %c0_i32_0 : i32, i32
  }
  func.func @transform_2(%arg0: i32) -> (i32, i32) {
    %c0_i32 = arith.constant 0 : i32
    %c0_i32_0 = arith.constant 0 : i32
    %c0_i32_1 = arith.constant 0 : i32
    return %c0_i32, %c0_i32_0 : i32, i32
  }
  func.func @transform_3(%arg0: i32) -> (i32, i32) {
    %c0_i32 = arith.constant 0 : i32
    %c0_i32_0 = arith.constant 0 : i32
    %c0_i32_1 = arith.constant 0 : i32
    return %c0_i32, %c0_i32_0 : i32, i32
  }
  func.func @transform_4(%arg0: i32) -> (i32, i32) {
    %c0_i32 = arith.constant 0 : i32
    %c0_i32_0 = arith.constant 0 : i32
    %c0_i32_1 = arith.constant 0 : i32
    return %c0_i32, %c0_i32_0 : i32, i32
  }
  func.func @transform_5(%arg0: i32) -> (i32, i32) {
    %c0_i32 = arith.constant 0 : i32
    %c0_i32_0 = arith.constant 0 : i32
    %c0_i32_1 = arith.constant 0 : i32
    return %c0_i32, %c0_i32_0 : i32, i32
  }
  func.func @transform_6(%arg0: i32) -> (i32, i32) {
    %c0_i32 = arith.constant 0 : i32
    %c0_i32_0 = arith.constant 0 : i32
    %c0_i32_1 = arith.constant 0 : i32
    return %c0_i32, %c0_i32_0 : i32, i32
  }
  func.func @transform_7(%arg0: i32) -> (i32, i32) {
    %c0_i32 = arith.constant 0 : i32
    %c0_i32_0 = arith.constant 0 : i32
    return %arg0, %c0_i32 : i32, i32
  }
  func.func @transform_8(%arg0: i32) -> (i32, i32, i32) {
    %c0_i32 = arith.constant 0 : i32
    %c0_i32_0 = arith.constant 0 : i32
    %c0_i32_1 = arith.constant 0 : i32
    return %c0_i32, %arg0, %c0_i32_0 : i32, i32, i32
  }
  func.func @transform_9(%arg0: i32) -> (i32, i32, i32) {
    %c0_i32 = arith.constant 0 : i32
    %c0_i32_0 = arith.constant 0 : i32
    %c0_i32_1 = arith.constant 0 : i32
    return %c0_i32, %arg0, %c0_i32_0 : i32, i32, i32
  }
}

module attributes {stable_mosaic.version = 14 : i64} {
  func.func @_edge_mlp_body(%arg0: i32, %arg1: memref<2000x128xf32, #tpu.memory_space<vmem>>, %arg2: memref<128x64xf32, #tpu.memory_space<vmem>>, %arg3: memref<1x64xf32, #tpu.memory_space<vmem>>, %arg4: memref<64x128xf32, #tpu.memory_space<vmem>>, %arg5: memref<1x128xf32, #tpu.memory_space<vmem>>, %arg6: memref<128x128xf32, #tpu.memory_space<vmem>>, %arg7: memref<1x128xf32, #tpu.memory_space<vmem>>, %arg8: memref<2000x128xf32, #tpu.memory_space<vmem>>) attributes {dimension_semantics = [#tpu.dimension_semantics<arbitrary>], iteration_bounds = array<i64: 160>, scalar_prefetch = 0 : i64, scratch_operands = 0 : i64, tpu.core_type = #tpu.core_type<tc>, window_params = [{transform_indices = @transform_0, window_bounds = array<i64: 2000, 128>}, {pipeline_mode = #tpu.pipeline_mode<synchronous>, transform_indices = @transform_1, window_bounds = array<i64: 128, 64>}, {pipeline_mode = #tpu.pipeline_mode<synchronous>, transform_indices = @transform_2, window_bounds = array<i64: 1, 64>}, {pipeline_mode = #tpu.pipeline_mode<synchronous>, transform_indices = @transform_3, window_bounds = array<i64: 64, 128>}, {pipeline_mode = #tpu.pipeline_mode<synchronous>, transform_indices = @transform_4, window_bounds = array<i64: 1, 128>}, {pipeline_mode = #tpu.pipeline_mode<synchronous>, transform_indices = @transform_5, window_bounds = array<i64: 128, 128>}, {pipeline_mode = #tpu.pipeline_mode<synchronous>, transform_indices = @transform_6, window_bounds = array<i64: 1, 128>}, {transform_indices = @transform_7, window_bounds = array<i64: 2000, 128>}]} {
    %get3A = arith.constant 0 : index
    %get3A_0 = arith.constant 0 : index
    %get3A_1 = vector.load %arg1[%get3A, %get3A_0] : memref<2000x128xf32, #tpu.memory_space<vmem>>, vector<2000x128xf32>
    %get3A_2 = arith.constant 0 : index
    %get3A_3 = arith.constant 0 : index
    %get3A_4 = vector.load %arg2[%get3A_2, %get3A_3] : memref<128x64xf32, #tpu.memory_space<vmem>>, vector<128x64xf32>
    %dot_general3A = arith.constant dense<0.000000e+00> : vector<2000x64xf32>
    %dot_general3A_5 = tpu.matmul %get3A_1, %get3A_4, %dot_general3A {dimension_numbers = #tpu.dot_dimension_numbers<[1], [0], [0], [1], [0, 0, 1, 1], [], []>, transpose_lhs_hint = false} : vector<2000x128xf32>, vector<128x64xf32>, vector<2000x64xf32> -> vector<2000x64xf32>
    %get3A_6 = arith.constant 0 : index
    %get3A_7 = arith.constant 0 : index
    %get3A_8 = vector.load %arg3[%get3A_6, %get3A_7] : memref<1x64xf32, #tpu.memory_space<vmem>>, vector<1x64xf32>
    %add3A = vector.broadcast %get3A_8 : vector<1x64xf32> to vector<2000x64xf32>
    %add3A_9 = arith.addf %dot_general3A_5, %add3A : vector<2000x64xf32>
    %max3A = arith.constant 0.000000e+00 : f32
    %max3A_10 = vector.broadcast %max3A : f32 to vector<2000x64xf32>
    %max3A_11 = arith.maximumf %add3A_9, %max3A_10 : vector<2000x64xf32>
    %abs3A = math.absf %add3A_9 : vector<2000x64xf32>
    %neg3A = arith.constant 0.000000e+00 : f32
    %neg3A_12 = vector.broadcast %neg3A : f32 to vector<2000x64xf32>
    %neg3A_13 = arith.subf %neg3A_12, %abs3A : vector<2000x64xf32>
    %exp3A = math.exp %neg3A_13 : vector<2000x64xf32>
    %log1p3A = math.log1p %exp3A : vector<2000x64xf32>
    %add3A_14 = arith.addf %max3A_11, %log1p3A : vector<2000x64xf32>
    %log3A = arith.constant 2.000000e+00 : f32
    %log3A_15 = math.log %log3A : f32
    %sub3A = vector.broadcast %log3A_15 : f32 to vector<2000x64xf32>
    %sub3A_16 = arith.subf %add3A_14, %sub3A : vector<2000x64xf32>
    %get3A_17 = arith.constant 0 : index
    %get3A_18 = arith.constant 0 : index
    %get3A_19 = vector.load %arg4[%get3A_17, %get3A_18] : memref<64x128xf32, #tpu.memory_space<vmem>>, vector<64x128xf32>
    %dot_general3A_20 = arith.constant dense<0.000000e+00> : vector<2000x128xf32>
    %dot_general3A_21 = tpu.matmul %sub3A_16, %get3A_19, %dot_general3A_20 {dimension_numbers = #tpu.dot_dimension_numbers<[1], [0], [0], [1], [0, 0, 1, 1], [], []>, transpose_lhs_hint = false} : vector<2000x64xf32>, vector<64x128xf32>, vector<2000x128xf32> -> vector<2000x128xf32>
    %get3A_22 = arith.constant 0 : index
    %get3A_23 = arith.constant 0 : index
    %get3A_24 = vector.load %arg5[%get3A_22, %get3A_23] : memref<1x128xf32, #tpu.memory_space<vmem>>, vector<1x128xf32>
    %add3A_25 = vector.broadcast %get3A_24 : vector<1x128xf32> to vector<2000x128xf32>
    %add3A_26 = arith.addf %dot_general3A_21, %add3A_25 : vector<2000x128xf32>
    %max3A_27 = arith.constant 0.000000e+00 : f32
    %max3A_28 = vector.broadcast %max3A_27 : f32 to vector<2000x128xf32>
    %max3A_29 = arith.maximumf %add3A_26, %max3A_28 : vector<2000x128xf32>
    %abs3A_30 = math.absf %add3A_26 : vector<2000x128xf32>
    %neg3A_31 = arith.constant 0.000000e+00 : f32
    %neg3A_32 = vector.broadcast %neg3A_31 : f32 to vector<2000x128xf32>
    %neg3A_33 = arith.subf %neg3A_32, %abs3A_30 : vector<2000x128xf32>
    %exp3A_34 = math.exp %neg3A_33 : vector<2000x128xf32>
    %log1p3A_35 = math.log1p %exp3A_34 : vector<2000x128xf32>
    %add3A_36 = arith.addf %max3A_29, %log1p3A_35 : vector<2000x128xf32>
    %log3A_37 = arith.constant 2.000000e+00 : f32
    %log3A_38 = math.log %log3A_37 : f32
    %sub3A_39 = vector.broadcast %log3A_38 : f32 to vector<2000x128xf32>
    %sub3A_40 = arith.subf %add3A_36, %sub3A_39 : vector<2000x128xf32>
    %get3A_41 = arith.constant 0 : index
    %get3A_42 = arith.constant 0 : index
    %get3A_43 = vector.load %arg6[%get3A_41, %get3A_42] : memref<128x128xf32, #tpu.memory_space<vmem>>, vector<128x128xf32>
    %dot_general3A_44 = arith.constant dense<0.000000e+00> : vector<2000x128xf32>
    %dot_general3A_45 = tpu.matmul %sub3A_40, %get3A_43, %dot_general3A_44 {dimension_numbers = #tpu.dot_dimension_numbers<[1], [0], [0], [1], [0, 0, 1, 1], [], []>, transpose_lhs_hint = false} : vector<2000x128xf32>, vector<128x128xf32>, vector<2000x128xf32> -> vector<2000x128xf32>
    %get3A_46 = arith.constant 0 : index
    %get3A_47 = arith.constant 0 : index
    %get3A_48 = vector.load %arg7[%get3A_46, %get3A_47] : memref<1x128xf32, #tpu.memory_space<vmem>>, vector<1x128xf32>
    %add3A_49 = vector.broadcast %get3A_48 : vector<1x128xf32> to vector<2000x128xf32>
    %add3A_50 = arith.addf %dot_general3A_45, %add3A_49 : vector<2000x128xf32>
    %swap3A = arith.constant 0 : index
    %swap3A_51 = arith.constant 0 : index
    %swap3A_52 = vector.load %arg8[%swap3A, %swap3A_51] : memref<2000x128xf32, #tpu.memory_space<vmem>>, vector<2000x128xf32>
    tpu.vector_store %arg8[%swap3A, %swap3A_51], %add3A_50 {strides = array<i32>} : memref<2000x128xf32, #tpu.memory_space<vmem>>, vector<2000x128xf32>,
    return
  }
  func.func @transform_0(%arg0: i32) -> (i32, i32) {
    %c0_i32 = arith.constant 0 : i32
    %c0_i32_0 = arith.constant 0 : i32
    return %arg0, %c0_i32 : i32, i32
  }
  func.func @transform_1(%arg0: i32) -> (i32, i32) {
    %c0_i32 = arith.constant 0 : i32
    %c0_i32_0 = arith.constant 0 : i32
    %c0_i32_1 = arith.constant 0 : i32
    return %c0_i32, %c0_i32_0 : i32, i32
  }
  func.func @transform_2(%arg0: i32) -> (i32, i32) {
    %c0_i32 = arith.constant 0 : i32
    %c0_i32_0 = arith.constant 0 : i32
    %c0_i32_1 = arith.constant 0 : i32
    return %c0_i32, %c0_i32_0 : i32, i32
  }
  func.func @transform_3(%arg0: i32) -> (i32, i32) {
    %c0_i32 = arith.constant 0 : i32
    %c0_i32_0 = arith.constant 0 : i32
    %c0_i32_1 = arith.constant 0 : i32
    return %c0_i32, %c0_i32_0 : i32, i32
  }
  func.func @transform_4(%arg0: i32) -> (i32, i32) {
    %c0_i32 = arith.constant 0 : i32
    %c0_i32_0 = arith.constant 0 : i32
    %c0_i32_1 = arith.constant 0 : i32
    return %c0_i32, %c0_i32_0 : i32, i32
  }
  func.func @transform_5(%arg0: i32) -> (i32, i32) {
    %c0_i32 = arith.constant 0 : i32
    %c0_i32_0 = arith.constant 0 : i32
    %c0_i32_1 = arith.constant 0 : i32
    return %c0_i32, %c0_i32_0 : i32, i32
  }
  func.func @transform_6(%arg0: i32) -> (i32, i32) {
    %c0_i32 = arith.constant 0 : i32
    %c0_i32_0 = arith.constant 0 : i32
    %c0_i32_1 = arith.constant 0 : i32
    return %c0_i32, %c0_i32_0 : i32, i32
  }
  func.func @transform_7(%arg0: i32) -> (i32, i32) {
    %c0_i32 = arith.constant 0 : i32
    %c0_i32_0 = arith.constant 0 : i32
    return %arg0, %c0_i32 : i32, i32
  }
}

module attributes {stable_mosaic.version = 14 : i64} {
  func.func @_node_update_body(%arg0: i32, %arg1: memref<1x2000x128xf32, #tpu.memory_space<vmem>>, %arg2: memref<1x2000x128xf32, #tpu.memory_space<vmem>>, %arg3: memref<2000x128xf32, #tpu.memory_space<vmem>>, %arg4: memref<2000x128xf32, #tpu.memory_space<vmem>>, %arg5: memref<128x128xf32, #tpu.memory_space<vmem>>, %arg6: memref<128x128xf32, #tpu.memory_space<vmem>>, %arg7: memref<1x128xf32, #tpu.memory_space<vmem>>, %arg8: memref<2000x128xf32, #tpu.memory_space<vmem>>, %arg9: memref<1x128xf32, #tpu.memory_space<vmem>>, %arg10: memref<1x128xf32, #tpu.memory_space<vmem>>) attributes {dimension_semantics = [#tpu.dimension_semantics<arbitrary>], iteration_bounds = array<i64: 5>, scalar_prefetch = 0 : i64, scratch_operands = 0 : i64, tpu.core_type = #tpu.core_type<tc>, window_params = [{transform_indices = @transform_0, window_bounds = array<i64: 1, 2000, 128>}, {transform_indices = @transform_1, window_bounds = array<i64: 1, 2000, 128>}, {transform_indices = @transform_2, window_bounds = array<i64: 2000, 128>}, {transform_indices = @transform_3, window_bounds = array<i64: 2000, 128>}, {pipeline_mode = #tpu.pipeline_mode<synchronous>, transform_indices = @transform_4, window_bounds = array<i64: 128, 128>}, {pipeline_mode = #tpu.pipeline_mode<synchronous>, transform_indices = @transform_5, window_bounds = array<i64: 128, 128>}, {pipeline_mode = #tpu.pipeline_mode<synchronous>, transform_indices = @transform_6, window_bounds = array<i64: 1, 128>}, {transform_indices = @transform_7, window_bounds = array<i64: 2000, 128>}, {pipeline_mode = #tpu.pipeline_mode<synchronous>, transform_indices = @transform_8, window_bounds = array<i64: 1, 128>}, {pipeline_mode = #tpu.pipeline_mode<synchronous>, transform_indices = @transform_9, window_bounds = array<i64: 1, 128>}]} {
    %get3A = arith.constant 0 : index
    %get3A_0 = arith.constant 0 : index
    %get3A_1 = arith.constant 0 : index
    %get3A_2 = vector.load %arg1[%get3A, %get3A_0, %get3A_1] : memref<1x2000x128xf32, #tpu.memory_space<vmem>>, vector<1x2000x128xf32>
    %get3A_3 = vector.shape_cast %get3A_2 : vector<1x2000x128xf32> to vector<2000x128xf32>
    %get3A_4 = arith.constant 0 : index
    %get3A_5 = arith.constant 0 : index
    %get3A_6 = arith.constant 0 : index
    %get3A_7 = vector.load %arg2[%get3A_4, %get3A_5, %get3A_6] : memref<1x2000x128xf32, #tpu.memory_space<vmem>>, vector<1x2000x128xf32>
    %get3A_8 = vector.shape_cast %get3A_7 : vector<1x2000x128xf32> to vector<2000x128xf32>
    %slice3A = vector.extract_strided_slice %get3A_3 {offsets = [0, 0], sizes = [2000, 64], strides = [1, 1]} : vector<2000x128xf32> to vector<2000x64xf32>
    %slice3A_9 = vector.extract_strided_slice %get3A_8 {offsets = [0, 0], sizes = [2000, 64], strides = [1, 1]} : vector<2000x128xf32> to vector<2000x64xf32>
    %concatenate3A = tpu.concatenate %slice3A, %slice3A_9 in 1 : vector<2000x64xf32>, vector<2000x64xf32> -> vector<2000x128xf32>
    %slice3A_10 = vector.extract_strided_slice %get3A_3 {offsets = [0, 64], sizes = [2000, 1], strides = [1, 1]} : vector<2000x128xf32> to vector<2000x1xf32>
    %max3A = arith.constant 1.000000e+00 : f32
    %max3A_11 = vector.broadcast %max3A : f32 to vector<2000x1xf32>
    %max3A_12 = arith.maximumf %slice3A_10, %max3A_11 : vector<2000x1xf32>
    %div3A = vector.broadcast %max3A_12 : vector<2000x1xf32> to vector<2000x128xf32>
    %div3A_13 = arith.divf %concatenate3A, %div3A : vector<2000x128xf32>
    %get3A_14 = arith.constant 0 : index
    %get3A_15 = arith.constant 0 : index
    %get3A_16 = vector.load %arg3[%get3A_14, %get3A_15] : memref<2000x128xf32, #tpu.memory_space<vmem>>, vector<2000x128xf32>
    %get3A_17 = arith.constant 0 : index
    %get3A_18 = arith.constant 0 : index
    %get3A_19 = vector.load %arg5[%get3A_17, %get3A_18] : memref<128x128xf32, #tpu.memory_space<vmem>>, vector<128x128xf32>
    %dot_general3A = arith.constant dense<0.000000e+00> : vector<2000x128xf32>
    %dot_general3A_20 = tpu.matmul %get3A_16, %get3A_19, %dot_general3A {dimension_numbers = #tpu.dot_dimension_numbers<[1], [0], [0], [1], [0, 0, 1, 1], [], []>, transpose_lhs_hint = false} : vector<2000x128xf32>, vector<128x128xf32>, vector<2000x128xf32> -> vector<2000x128xf32>
    %get3A_21 = arith.constant 0 : index
    %get3A_22 = arith.constant 0 : index
    %get3A_23 = vector.load %arg6[%get3A_21, %get3A_22] : memref<128x128xf32, #tpu.memory_space<vmem>>, vector<128x128xf32>
    %dot_general3A_24 = arith.constant dense<0.000000e+00> : vector<2000x128xf32>
    %dot_general3A_25 = tpu.matmul %div3A_13, %get3A_23, %dot_general3A_24 {dimension_numbers = #tpu.dot_dimension_numbers<[1], [0], [0], [1], [0, 0, 1, 1], [], []>, transpose_lhs_hint = false} : vector<2000x128xf32>, vector<128x128xf32>, vector<2000x128xf32> -> vector<2000x128xf32>
    %add3A = arith.addf %dot_general3A_20, %dot_general3A_25 : vector<2000x128xf32>
    %get3A_26 = arith.constant 0 : index
    %get3A_27 = arith.constant 0 : index
    %get3A_28 = vector.load %arg7[%get3A_26, %get3A_27] : memref<1x128xf32, #tpu.memory_space<vmem>>, vector<1x128xf32>
    %add3A_29 = vector.broadcast %get3A_28 : vector<1x128xf32> to vector<2000x128xf32>
    %add3A_30 = arith.addf %add3A, %add3A_29 : vector<2000x128xf32>
    %get3A_31 = arith.constant 0 : index
    %get3A_32 = arith.constant 0 : index
    %get3A_33 = vector.load %arg4[%get3A_31, %get3A_32] : memref<2000x128xf32, #tpu.memory_space<vmem>>, vector<2000x128xf32>
    %add3A_34 = arith.addf %add3A_30, %get3A_33 : vector<2000x128xf32>
    %swap3A = arith.constant 0 : index
    %swap3A_35 = arith.constant 0 : index
    %swap3A_36 = vector.load %arg8[%swap3A, %swap3A_35] : memref<2000x128xf32, #tpu.memory_space<vmem>>, vector<2000x128xf32>
    tpu.vector_store %arg8[%swap3A, %swap3A_35], %add3A_34 {strides = array<i32>} : memref<2000x128xf32, #tpu.memory_space<vmem>>, vector<2000x128xf32>,
    %eq3A = arith.constant 0 : i32
    %eq3A_37 = arith.cmpi eq, %arg0, %eq3A : i32
    %convert_element_type3A = arith.extui %eq3A_37 : i1 to i32
    %cond3A = arith.constant 0 : i32
    %cond3A_38 = arith.cmpi ne, %convert_element_type3A, %cond3A : i32
    scf.if %cond3A_38 {
      %broadcast_in_dim3A_57 = arith.constant 0.000000e+00 : f32
      %broadcast_in_dim3A_58 = vector.broadcast %broadcast_in_dim3A_57 : f32 to vector<1x128xf32>
      %swap3A_59 = arith.constant 0 : index
      %swap3A_60 = arith.constant 0 : index
      %swap3A_61 = vector.load %arg9[%swap3A_59, %swap3A_60] : memref<1x128xf32, #tpu.memory_space<vmem>>, vector<1x128xf32>
      tpu.vector_store %arg9[%swap3A_59, %swap3A_60], %broadcast_in_dim3A_58 {strides = array<i32>} : memref<1x128xf32, #tpu.memory_space<vmem>>, vector<1x128xf32>,
      %broadcast_in_dim3A_62 = arith.constant 0.000000e+00 : f32
      %broadcast_in_dim3A_63 = vector.broadcast %broadcast_in_dim3A_62 : f32 to vector<1x128xf32>
      %swap3A_64 = arith.constant 0 : index
      %swap3A_65 = arith.constant 0 : index
      %swap3A_66 = vector.load %arg10[%swap3A_64, %swap3A_65] : memref<1x128xf32, #tpu.memory_space<vmem>>, vector<1x128xf32>
      tpu.vector_store %arg10[%swap3A_64, %swap3A_65], %broadcast_in_dim3A_63 {strides = array<i32>} : memref<1x128xf32, #tpu.memory_space<vmem>>, vector<1x128xf32>,
    } else {
    }
    %get3A_39 = arith.constant 0 : index
    %get3A_40 = arith.constant 0 : index
    %get3A_41 = vector.load %arg9[%get3A_39, %get3A_40] : memref<1x128xf32, #tpu.memory_space<vmem>>, vector<1x128xf32>
    %reduce_sum3A = arith.constant dense<0.000000e+00> : vector<128xf32>
    %reduce_sum3A_42 = vector.multi_reduction <add>, %add3A_30, %reduce_sum3A [0] : vector<2000x128xf32> to vector<128xf32>
    %broadcast_in_dim3A = vector.shape_cast %reduce_sum3A_42 : vector<128xf32> to vector<1x128xf32>
    %add3A_43 = arith.addf %get3A_41, %broadcast_in_dim3A : vector<1x128xf32>
    %swap3A_44 = arith.constant 0 : index
    %swap3A_45 = arith.constant 0 : index
    %swap3A_46 = vector.load %arg9[%swap3A_44, %swap3A_45] : memref<1x128xf32, #tpu.memory_space<vmem>>, vector<1x128xf32>
    tpu.vector_store %arg9[%swap3A_44, %swap3A_45], %add3A_43 {strides = array<i32>} : memref<1x128xf32, #tpu.memory_space<vmem>>, vector<1x128xf32>,
    %get3A_47 = arith.constant 0 : index
    %get3A_48 = arith.constant 0 : index
    %get3A_49 = vector.load %arg10[%get3A_47, %get3A_48] : memref<1x128xf32, #tpu.memory_space<vmem>>, vector<1x128xf32>
    %reduce_sum3A_50 = arith.constant dense<0.000000e+00> : vector<128xf32>
    %reduce_sum3A_51 = vector.multi_reduction <add>, %concatenate3A, %reduce_sum3A_50 [0] : vector<2000x128xf32> to vector<128xf32>
    %broadcast_in_dim3A_52 = vector.shape_cast %reduce_sum3A_51 : vector<128xf32> to vector<1x128xf32>
    %add3A_53 = arith.addf %get3A_49, %broadcast_in_dim3A_52 : vector<1x128xf32>
    %swap3A_54 = arith.constant 0 : index
    %swap3A_55 = arith.constant 0 : index
    %swap3A_56 = vector.load %arg10[%swap3A_54, %swap3A_55] : memref<1x128xf32, #tpu.memory_space<vmem>>, vector<1x128xf32>
    tpu.vector_store %arg10[%swap3A_54, %swap3A_55], %add3A_53 {strides = array<i32>} : memref<1x128xf32, #tpu.memory_space<vmem>>, vector<1x128xf32>,
    return
  }
  func.func @transform_0(%arg0: i32) -> (i32, i32, i32) {
    %c0_i32 = arith.constant 0 : i32
    %c0_i32_0 = arith.constant 0 : i32
    %c0_i32_1 = arith.constant 0 : i32
    return %c0_i32, %arg0, %c0_i32_0 : i32, i32, i32
  }
  func.func @transform_1(%arg0: i32) -> (i32, i32, i32) {
    %c1_i32 = arith.constant 1 : i32
    %c0_i32 = arith.constant 0 : i32
    %c0_i32_0 = arith.constant 0 : i32
    return %c1_i32, %arg0, %c0_i32 : i32, i32, i32
  }
  func.func @transform_2(%arg0: i32) -> (i32, i32) {
    %c0_i32 = arith.constant 0 : i32
    %c0_i32_0 = arith.constant 0 : i32
    return %arg0, %c0_i32 : i32, i32
  }
  func.func @transform_3(%arg0: i32) -> (i32, i32) {
    %c0_i32 = arith.constant 0 : i32
    %c0_i32_0 = arith.constant 0 : i32
    return %arg0, %c0_i32 : i32, i32
  }
  func.func @transform_4(%arg0: i32) -> (i32, i32) {
    %c0_i32 = arith.constant 0 : i32
    %c0_i32_0 = arith.constant 0 : i32
    %c0_i32_1 = arith.constant 0 : i32
    return %c0_i32, %c0_i32_0 : i32, i32
  }
  func.func @transform_5(%arg0: i32) -> (i32, i32) {
    %c0_i32 = arith.constant 0 : i32
    %c0_i32_0 = arith.constant 0 : i32
    %c0_i32_1 = arith.constant 0 : i32
    return %c0_i32, %c0_i32_0 : i32, i32
  }
  func.func @transform_6(%arg0: i32) -> (i32, i32) {
    %c0_i32 = arith.constant 0 : i32
    %c0_i32_0 = arith.constant 0 : i32
    %c0_i32_1 = arith.constant 0 : i32
    return %c0_i32, %c0_i32_0 : i32, i32
  }
  func.func @transform_7(%arg0: i32) -> (i32, i32) {
    %c0_i32 = arith.constant 0 : i32
    %c0_i32_0 = arith.constant 0 : i32
    return %arg0, %c0_i32 : i32, i32
  }
  func.func @transform_8(%arg0: i32) -> (i32, i32) {
    %c0_i32 = arith.constant 0 : i32
    %c0_i32_0 = arith.constant 0 : i32
    %c0_i32_1 = arith.constant 0 : i32
    return %c0_i32, %c0_i32_0 : i32, i32
  }
  func.func @transform_9(%arg0: i32) -> (i32, i32) {
    %c0_i32 = arith.constant 0 : i32
    %c0_i32_0 = arith.constant 0 : i32
    %c0_i32_1 = arith.constant 0 : i32
    return %c0_i32, %c0_i32_0 : i32, i32
  }
}

</mosaic_0001>

<sc_bundles>
// kernel: kernel.6.cloned.1.call-start
scs
__scs_entry_jumppad:
0x0: {  	(pc) =	sbr.rel $0x88, $3  }
0x1: {  	(tag) =	ssettag $0x0;
	lr =	simm.s32 $0x1  }
0x2: {  	[smem:$0x3F8B] =	sst lr;
	_ =	strace $0xD0000000  }
0x3: {  	_ = 	snop  }
0x4: {  	_ = 	snop  }
0x5: {  	_ = 	snop  }
0x6: {  	_ = 	snop  }
0x7: {  	_ = 	snop  }
__scs_overlays_trampoline_lowered:
0x8: {  	[smem:$0x3F9A] =	sst s0  }
0x9: {  	[smem:$0x3F9B] =	sst s1  }
0xa: {  	[smem:$0x3F9C] =	sst s2  }
0xb: {  	[smem:$0x3F9D] =	sst s3  }
0xc: {  	[smem:$0x3F9E] =	sst s4  }
0xd: {  	[smem:$0x3F9F] =	sst s5  }
0xe: {  	[smem:$0x3FA0] =	sst s6  }
0xf: {  	[smem:$0x3FA1] =	sst s7  }
0x10: {  	[smem:$0x3FA2] =	sst s8  }
0x11: {  	[smem:$0x3FA3] =	sst s9;
	s0 =	simm.s32 @!p0 $0x0  }
0x12: {  	s1 =	sld [smem:$0x3F89];
	s0 =	simm.s32 @p0 $0x1  }
0x13: {  	[smem:$0x3FA4] =	sst s0;
	s0 =	simm.s32 @!p1 $0x0  }
0x14: {  	s2 =	sld [smem:$0x3F88];
	s0 =	simm.s32 @p1 $0x1  }
0x15: {  	[smem:$0x3FA5] =	sst s0;
	s0 =	simm.s32 @!p2 $0x0  }
0x16: {  	s3 =	sld [smem:$0x3FDB];
	s0 =	simm.s32 @p2 $0x1  }
0x17: {  	s4 =	simm.s32 $0x1BF5;
	[smem:$0x3FA7] =	sst s0  }
0x18: {  	s0 =	sld [smem:$0x3F8A];
	_ =	swait.ge [sflag:s4], $0x0  }
0x19: {  	s7 =	sld [smem:$0x3F8B]  }
0x1a: {  	s8 =	sadd.s32 $0xFFFFE003, lr  }
0x1b: {  	s9 =	sadd.s32 $0xFFFFFEF7, lr;
	s5 =	simm.s32 $0xFFFFFFFF;
	p2 =	slt.u32 s8, $0xFFFFF086  }
0x1c: {  	p1 =	slt.u32 s9, $0xF7A;
	s5 =	simm.s32 @!p2 $0x0  }
0x1d: {  	s5 =	simm.s32 @p1 $0x1;
	p0 =	seq.s32 s7, s2  }
0x1e: {  	s7 =	smul.u32 @!p0 $0xF7A, s2;
	p2 =	seq.s32 @!p0 s5, $0x0  }
0x1f: {  	s9 =	smul.u32 $0xF7A, s1;
	s8 =	simm.s32 @!p0 $0x1BF5;
	p2 =	por !p2, p0  }
0x20: {  	[sflag:s8] =	ssyncset.s32 @!p0 $0xFFFFF086;
	s6 =	sadd.s32 @!p0 s3, s7;
	s7 =	simm.s32 @!p0 $0x108  }
0x21: {  	s3 =	sadd.s32 s3, s9;
	s6 =	sadd.s32 @!p0 $0x88, s6;
	s7 =	simm.s32 @p2 $0x1082  }
0x22: {  	[simem:s7], [sflag:s8] =	dma.local @!p0 [hbm:s6], $0xF7A  }
0x23: {  	s9 =	sor.u32 $0xD0000000, s2;
	s6 =	simm.s32 $0x108;
	_ =	swait.ge @!p0 [sflag:s8], $0x0  }
0x24: {  	s3 =	sadd.s32 $0x88, s3;
	s6 =	simm.s32 @!p1 $0x1082;
	[sflag:s4] =	ssyncset.s32 $0xFFFFF086  }
0x25: {  	[simem:s6], [sflag:s4] =	dma.local [hbm:s3], $0xF7A  }
0x26: {  	[smem:$0x3F8B] =	sst s1;
	(tag) =	ssettag s2;
	_ =	strace s9  }
0x27: {  	s1 =	sld [smem:$0x3F9B]  }
0x28: {  	s2 =	sld [smem:$0x3F9C]  }
0x29: {  	s4 =	sld [smem:$0x3F9E]  }
0x2a: {  	p0 =	seq.s32 s5, $0x0;
	s5 =	sld [smem:$0x3F9F]  }
0x2b: {  	s6 =	sld [smem:$0x3FA0]  }
0x2c: {  	s7 =	sld [smem:$0x3FA1]  }
0x2d: {  	s3 =	simm.s32 $0x108;
	s8 =	sld [smem:$0x3FA2]  }
0x2e: {  	s3 =	simm.s32 @!p0 $0x1082;
	s9 =	sld [smem:$0x3FA3]  }
0x2f: {  	lr =	sadd.s32 s0, s3;
	s0 =	sld [smem:$0x3F9A]  }
0x30: {  	s3 =	sld [smem:$0x3F9D]  }
0x31: {  	[smem:$0x3FA6] =	sst s10  }
0x32: {  	s10 =	sld [smem:$0x3FA4];
	_ =	sdelay $0x3  }
0x33: {  	p0 =	seq.s32 s10, $0x1;
	s10 =	sld [smem:$0x3FA6];
	_ =	sdelay $0x3  }
0x34: {  	[smem:$0x3FA6] =	sst s10  }
0x35: {  	s10 =	sld [smem:$0x3FA5];
	_ =	sdelay $0x3  }
0x36: {  	p1 =	seq.s32 s10, $0x1;
	s10 =	sld [smem:$0x3FA6];
	_ =	sdelay $0x3  }
0x37: {  	[smem:$0x3FA6] =	sst s10  }
0x38: {  	s10 =	sld [smem:$0x3FA7]  }
0x39: {  	_ = 	snop;
	(pc) =	sbr.ind lr, $3  }
0x3a: {  	_ = 	snop  }
0x3b: {  	_ = 	snop  }
0x3c: {  	p2 =	seq.s32 s10, $0x1;
	s10 =	sld [smem:$0x3FA6]  }
0x3d: {  	_ =	shalt  }
0x3e: {  	_ =	shalt  }
0x3f: {  	_ =	shalt  }
0x40: {  	_ =	shalt  }
0x41: {  	_ =	shalt  }
0x42: {  	_ =	shalt  }
0x43: {  	_ =	shalt  }
0x44: {  	_ =	shalt  }
0x45: {  	_ =	shalt  }
0x46: {  	_ =	shalt  }
0x47: {  	_ =	shalt  }
0x48: {  	_ =	shalt  }
0x49: {  	_ =	shalt  }
0x4a: {  	_ =	shalt  }
0x4b: {  	_ =	shalt  }
0x4c: {  	_ =	shalt  }
0x4d: {  	_ =	shalt  }
0x4e: {  	_ =	shalt  }
0x4f: {  	_ =	shalt  }
0x50: {  	_ =	shalt  }
0x51: {  	_ =	shalt  }
0x52: {  	_ =	shalt  }
0x53: {  	_ =	shalt  }
0x54: {  	_ =	shalt  }
0x55: {  	_ =	shalt  }
0x56: {  	_ =	shalt  }
0x57: {  	_ =	shalt  }
0x58: {  	_ =	shalt  }
0x59: {  	_ =	shalt  }
0x5a: {  	_ =	shalt  }
0x5b: {  	_ =	shalt  }
0x5c: {  	_ =	shalt  }
0x5d: {  	_ =	shalt  }
0x5e: {  	_ =	shalt  }
0x5f: {  	_ =	shalt  }
0x60: {  	_ =	shalt  }
0x61: {  	_ =	shalt  }
0x62: {  	_ =	shalt  }
0x63: {  	_ =	shalt  }
0x64: {  	_ =	shalt  }
0x65: {  	_ =	shalt  }
0x66: {  	_ =	shalt  }
0x67: {  	_ =	shalt  }
0x68: {  	_ =	shalt  }
0x69: {  	_ =	shalt  }
0x6a: {  	_ =	shalt  }
0x6b: {  	_ =	shalt  }
0x6c: {  	_ =	shalt  }
0x6d: {  	_ =	shalt  }
0x6e: {  	_ =	shalt  }
0x6f: {  	_ =	shalt  }
0x70: {  	_ =	shalt  }
0x71: {  	_ =	shalt  }
0x72: {  	_ =	shalt  }
0x73: {  	_ =	shalt  }
0x74: {  	_ =	shalt  }
0x75: {  	_ =	shalt  }
0x76: {  	_ =	shalt  }
0x77: {  	_ =	shalt  }
0x78: {  	_ =	shalt  }
0x79: {  	_ =	shalt  }
0x7a: {  	_ =	shalt  }
0x7b: {  	_ =	shalt  }
0x7c: {  	_ =	shalt  }
0x7d: {  	_ =	shalt  }
0x7e: {  	_ =	shalt  }
0x7f: {  	_ =	shalt  }
0x80: {  	_ =	shalt  }
0x81: {  	_ =	shalt  }
0x82: {  	_ =	shalt  }
0x83: {  	_ =	shalt  }
0x84: {  	_ =	shalt  }
0x85: {  	_ =	shalt  }
0x86: {  	_ =	shalt  }
0x87: {  	_ =	shalt  }
.Lfunc_end0:
.L_simem_size_0:
called_computation_lowered:
.L_overlay_start_0:
0x88: {  	s2 =	sld [smem:$0x3FD9]  }
0x89: {  	s3 =	sld [smem:$0x3FFE];
	_ =	sdelay $0x1  }
0x8a: {  	s1 =	srdreg.scid  }
0x8b: {  	s0 =	sand.u32 $0x1, s1  }
0x8c: {  	s14 =	sshll.u32 s0, $0xA;
	s2 =	sadd.s32 s3, s2  }
0x8d: {  	s2 =	sadd.s32 s2, s14  }
0x8e: {  	[smem:$0x3FB2] =	sst s2  }
0x8f: {  	_ = 	snop  }
0x90: {  	s2 =	sld [smem:$0x3FD0];
	_ =	sdelay $0x2  }
0x91: {  	s4 =	simm.s32 $0xA;
	s5 =	simm.s32 $0x10;
	s15 =	sld [smem:$0x3FC7]  }
0x92: {  	[smem:s5], [sflag:s4] =	dma.local [hbm:s2], $0x1  }
0x93: {  	_ =	swait.eq [sflag:s4], $0x1  }
0x94: {  	[sflag:s4] =	ssyncset.done $0x0  }
0x95: {  	s16 =	sld [smem:$0x10];
	[sflag:s4] =	ssyncadd.s32 $0xFFFFFFFF  }
0x96: {  	s17 =	sld [smem:$0x11];
	(tm) =	ssettm $0x1  }
0x97: {  	s18 =	sld [smem:$0x3FFB];
	_ =	sdelay $0x3  }
0x98: {  	_ =	strace s18  }
0x99: {  	s5 =	sld [smem:$0x3FFC];
	_ =	sdelay $0x3  }
0x9a: {  	_ =	strace s5  }
0x9b: {  	s5 =	sld [smem:$0x3FFD];
	_ =	sdelay $0x3  }
0x9c: {  	_ =	strace s5  }
0x9d: {  	_ =	strace $0x8FFFFFFF  }
0x9e: {  	s19 =	sld [smem:$0x3FDB];
	_ =	sdelay $0x1  }
0x9f: {  	s6 =	simm.s32 $_scs_section_size  }
0xa0: {  	s7 =	simm.s32 $_size__tile_overlayer_lowered;
	s8 =	simm.s32 $_tile_overlayer_lowered  }
0xa1: {  	s22 =	simm.s32 $0x1BFF;
	s21 =	sshll.u32 s8, $0x1;
	s5 =	sadd.s32 s6, s19  }
0xa2: {  	s9 =	simm.s32 $0x0;
	s20 =	sshll.u32 s7, $0x1;
	s7 =	sadd.s32 s21, s5  }
0xa3: {  	[timem:s9], [sflag:s22] =	dma.local [hbm:s7], s20  }
0xa4: {  	_ =	swait.ge [sflag:s22], s20  }
0xa5: {  	s6 =	ssub.s32 $0x0, s20;
	[sflag:s22] =	ssyncset.done $0x0  }
0xa6: {  	[sflag:s22] =	ssyncadd.s32 s6;
	_ =	sdelay $0x1  }
0xa7: {  	s23 =	simm.s32 $0x1B8B  }
0xa8: {  	_ =	swait.ge [sflag:s23], $0x1  }
0xa9: {  	[sflag:s23] =	ssyncset.done $0x0  }
0xaa: {  	s25 =	simm.s32 $0x1B8E;
	s24 =	sld [smem:$0x3FFE];
	[sflag:s23] =	ssyncadd.s32 $0xFFFFFFFF  }
0xab: {  	s26 =	simm.s32 $execute0_lowered;
	[smem:$0x3FD2] =	sst s25  }
0xac: {  	s7 =	sshll.u32 s26, $0x1;
	_ =	strace $0x80000046;
	[dreg:$0x1] =	wrdreg $0xFFFFFFFF  }
0xad: {  	s28 =	simm.s32 $_size_execute0_lowered;
	s5 =	sadd.s32 s5, s7;
	[dreg:$0x0] =	wrdreg $0x0  }
0xae: {  	s7 =	sshll.u32 s28, $0x1;
	[dreg:$0x2] =	wrdreg s5  }
0xaf: {  	[dreg:$0x3] =	wrdreg s7  }
0xb0: {  	[dreg:$0x4] =	wrdreg $0xC0  }
0xb1: {  	_ =	task [dreg:s9], $0x5FFFF  }
0xb2: {  	[dreg:$0x1] =	wrdreg $0xFFFFFFFF  }
0xb3: {  	[dreg:$0x0] =	wrdreg $0x60  }
0xb4: {  	[dreg:$0x2] =	wrdreg s24  }
0xb5: {  	[dreg:$0x3] =	wrdreg s16  }
0xb6: {  	[dreg:$0x4] =	wrdreg s15  }
0xb7: {  	[dreg:$0x5] =	wrdreg s17  }
0xb8: {  	[dreg:$0x6] =	wrdreg $0xD8400  }
0xb9: {  	[dreg:$0x7] =	wrdreg $0x9  }
0xba: {  	_ =	task.clear_ibuf [dreg:s9], $0x8FFFF;
	_ =	strace $0x90000046  }
0xbb: {  	s29 =	simm.s32 $0x9;
	_ =	strace $0x80000048  }
0xbc: {  	_ =	swait.ge [sflag:s29], $0x1  }
0xbd: {  	[sflag:s29] =	ssyncadd.s32 $0xFFFFFFFF  }
0xbe: {  	_ =	strace $0x90000048  }
0xbf: {  	_ =	sfence  }
0xc0: {  	s30 =	sld [smem:$0x0];
	_ =	sdelay $0x2  }
0xc1: {  	s31 =	sshll.u32 s1, $0xD;
	s1 =	sshrl.u32 s1, $0x2  }
0xc2: {  	s3 =	sand.u32 $0x4000, s31;
	s1 =	sadd.s32 s1, s30  }
0xc3: {  	s0 =	sor.u32 s3, s0;
	s1 =	sshll.u32 s1, $0x11  }
0xc4: {  	s0 =	sor.u32 s1, s0  }
0xc5: {  	s0 =	sadd.s32 $0x8F2B, s0  }
0xc6: {  	[sflag:s0] =	ssyncadd.remote.s32 $0x1  }
0xc7: {  	_ =	sfence.sel $0xFFFF  }
0xc8: {  	[dreg:$0x0] =	wrdreg $0xFFFFFFFF;
	(pc) =	sbr.abs _section_cstart, $3  }
0xc9: {  	[dreg:$0x1] =	wrdreg $0xFFFFFFFF  }
0xca: {  	_ =	task.clear_ibuf [dreg:s9], $0x2FFFF;
	_ =	strace $0x9FFFFFFF  }
0xcb: {  	(tm) =	ssettm $0x7FFFFFFF  }
tec
execute0_lowered:
.L_overlay_start_1:
0x0: {  	(tag) =	ssettag $0x1  }
0x1: {  	s22 =	stileid.u32  }
0x2: {  	s0 =	srdreg.scid;
	s7 =	smul.u32 $0x2800, s22  }
0x3: {  	s0 =	sand.u32 $0x1, s0;
	s30 =	smul.u32 $0x4E20, s22  }
0x4: {  	s4 =	sor.u32 $0x10, s22;
	s3 =	smul.u32 $0x138800, s0  }
0x5: {  	s8 =	sor.u32 $0x20, s22;
	s9 =	smul.u32 $0x2800, s4  }
0x6: {  	s10 =	sor.u32 $0x30, s22;
	s11 =	smul.u32 $0x2800, s8  }
0x7: {  	s2 =	rddreg [dreg:$0x0];
	s12 =	sor.u32 $0x40, s22;
	s13 =	smul.u32 $0x2800, s10  }
0x8: {  	s1 =	rddreg [dreg:$0x1];
	s19 =	sor.u32 $0x50, s22;
	s15 =	smul.u32 $0x2800, s12  }
0x9: {  	s5 =	rddreg [dreg:$0x4];
	s20 =	sor.u32 $0x60, s22;
	s17 =	smul.u32 $0x2800, s19  }
0xa: {  	s6 =	simm.s32 $0x0;
	s21 =	sor.u32 $0x70, s22;
	s24 =	smul.u32 $0x2800, s20  }
0xb: {  	[smem:$0x7FF] =	sst s6;
	s18 =	smul.u32 $0x2800, s21  }
0xc: {  	p0 =	sgt.u32 s22, $0xC;
	s14 =	ssub.s32 $0x2, s0;
	s4 =	smul.u32 $0x6400, s4  }
0xd: {  	s12 =	smul.u32 $0x6400, s12;
	s28 =	sshll.u32 s0, $0x3;
	s16 =	sshrl.u32 s14, $0x1  }
0xe: {  	s14 =	ssub.s32 s14, s16;
	s7 =	sadd.s32 s7, s3;
	s9 =	sadd.s32 s3, s9  }
0xf: {  	s11 =	sadd.s32 s3, s11;
	s13 =	sadd.s32 s3, s13;
	s15 =	sadd.s32 s3, s15  }
0x10: {  	s17 =	sadd.s32 s3, s17;
	s16 =	sadd.s32 s3, s24;
	s3 =	sadd.s32 s3, s18  }
0x11: {  	s18 =	sadd.s32 $0x547C00, s2;
	s4 =	sshrl.u32 s4, $0x2;
	s7 =	sshrl.u32 s7, $0x3  }
0x12: {  	s25 =	sshrl.u32 s9, $0x3;
	s26 =	sshrl.u32 s11, $0x3;
	s13 =	sshrl.u32 s13, $0x3  }
0x13: {  	s15 =	sshrl.u32 s15, $0x3;
	s23 =	sshrl.u32 s17, $0x3;
	s3 =	sshrl.u32 s3, $0x3  }
0x14: {  	s9 =	smul.u32 $0x6400, s8;
	s17 =	sadd.s32 $0x2AE00, s2;
	s8 =	simm.s32 $0x0  }
0x15: {  	s7 =	sadd.s32 s18, s7;
	s11 =	sadd.s32 s18, s26;
	s24 =	sadd.s32 s18, s23  }
0x16: {  	s26 =	smul.u32 $0x6400, s22;
	s3 =	sadd.s32 s18, s3;
	[dreg:$0x6] =	wrdreg s7  }
0x17: {  	s23 =	smul.u32 $0x6400, s21;
	s21 =	simm.s32 $0x8D40;
	[dreg:$0x8] =	wrdreg s11  }
0x18: {  	s22 =	simm.s32 $0xA640;
	s7 =	sadd.s32 s18, s25;
	[dreg:$0xb] =	wrdreg s24  }
0x19: {  	s25 =	sshrl.u32 s16, $0x3;
	[dreg:$0xd] =	wrdreg s3;
	s11 =	smul.u32 $0x6400, s10  }
0x1a: {  	[dreg:$0x7] =	wrdreg s7;
	s7 =	sadd.s32 s18, s13;
	s13 =	smul.u32 $0x6400, s19  }
0x1b: {  	s16 =	sadd.s32 $0x52000, s2;
	s3 =	sshrl.u32 s9, $0x2;
	s19 =	smul.u32 $0x6400, s20  }
0x1c: {  	s10 =	sshrl.u32 s23, $0x2;
	s23 =	smax.u32 s14, $0x1;
	s14 =	simm.s32 $0x80  }
0x1d: {  	[dreg:$0x9] =	wrdreg s7;
	s7 =	sadd.s32 s18, s15;
	s15 =	sadd.s32 $0x5BE00, s2  }
0x1e: {  	s20 =	sshrl.u32 s11, $0x2;
	s11 =	sadd.s32 s10, s5;
	[dreg:$0xa] =	wrdreg s7  }
0x1f: {  	s7 =	sadd.s32 s18, s25;
	s18 =	sadd.s32 $0x65C00, s2;
	s25 =	sadd.s32 s4, s5  }
0x20: {  	s2 =	sshrl.u32 s12, $0x2;
	s29 =	sadd.s32 s20, s5;
	[dreg:$0xc] =	wrdreg s7  }
0x21: {  	s9 =	sshrl.u32 s19, $0x2;
	_ =	strace $0x80000047;
	[dreg:$0x15] =	wrdreg s11  }
0x22: {  	s12 =	smul.u32 $0x2710, s0;
	s0 =	simm.s32 $0x50;
	[dreg:$0x16] =	wrdreg s23  }
0x23: {  	s7 =	sshrl.u32 s26, $0x2;
	s26 =	sadd.s32 s3, s5;
	[dreg:$0xf] =	wrdreg s25  }
0x24: {  	s19 =	simm.s32 $0x6540;
	s20 =	simm.s32 $0x1;
	[dreg:$0x10] =	wrdreg s26  }
0x25: {  	s31 =	sadd.s32 s2, s5;
	s3 =	simm.s32 $0x2;
	[dreg:$0x11] =	wrdreg s29  }
0x26: {  	s24 =	sadd.s32 s7, s5;
	s7 =	sshrl.u32 s13, $0x2;
	[dreg:$0x12] =	wrdreg s31  }
0x27: {  	s13 =	simm.s32 $0x40;
	s2 =	sadd.s32 s7, s5;
	[dreg:$0xe] =	wrdreg s24  }
0x28: {  	v0 =	vimm.f32 $0.0e+00;
	vm0 =	vcmask $0x300;
	s23 =	simm.s32 $0x7940;
	[dreg:$0x13] =	wrdreg s2;
	s2 =	sadd.s32 s9, s5  }
0x29: {  	v2 =	vsel vm0, $0x3F800000, v0;
	v1 =	vmov s12;
	s7 =	simm.s32 $0xA0;
	s9 =	simm.s32 $0xF0;
	[dreg:$0x14] =	wrdreg s2  }
.LBB2_1:
0x2a: {  	[dreg:$0x17] =	wrdreg s8;
	s4 =	simm.s32 $0x140;
	s2 =	simm.s32 $0x0  }
.LBB2_2:
0x2b: {  	p1 =	sne.s32 s4, $0x62C0;
	[tilespmem:s2+$0xBF80] =	vst v0;
	s8 =	smov.u32 s4;
	s4 =	sadd.s32 $0x140, s4  }
.Ltmp0:
0x2c: {  	[tilespmem:s2+$0xBF70] =	vst v0;
	(pc) =	sbr.rel @p1 .LBB2_2-.Ltmp0, $4  }
0x2d: {  	[tilespmem:s2+$0xBF60] =	vst v0  }
0x2e: {  	[tilespmem:s2+$0xBF40] =	vst v0  }
0x2f: {  	[tilespmem:s2+$0xBF50] =	vst v0  }
0x30: {  	s2 =	sshra.s32 s8, $0x2  }
0x31: {  	[tilespmem:s2+$0xBF80] =	vst v0  }
0x32: {  	[tilespmem:s2+$0xBF70] =	vst v0  }
0x33: {  	[tilespmem:s2+$0xBF60] =	vst v0  }
0x34: {  	[tilespmem:s2+$0xBF40] =	vst v0  }
0x35: {  	[tilespmem:s2+$0xBF50] =	vst v0;
	s4 =	simm.s32 $0xBF40  }
0x36: {  	[spmem:s24] =	stream.linear.scatter [tilespmem:s4], [sflag:$0x2], $0x1900, $0x38;
	[tilespmem:$0x19B90] =	vst v63  }
0x37: {  	_ =	swait.ge [sflag:s3], $0x1900  }
0x38: {  	[sflag:s3] =	ssyncset.done $0x0  }
0x39: {  	[sflag:s3] =	ssyncadd.s32 $0xFFFFE700  }
0x3a: {  	[spmem:s25] =	stream.linear.scatter [tilespmem:s4], [sflag:$0x2], $0x1900, $0x38;
	[tilespmem:$0x19B90] =	vst v63  }
0x3b: {  	_ =	swait.ge [sflag:s3], $0x1900  }
0x3c: {  	[sflag:s3] =	ssyncset.done $0x0  }
0x3d: {  	[sflag:s3] =	ssyncadd.s32 $0xFFFFE700  }
0x3e: {  	[spmem:s26] =	stream.linear.scatter [tilespmem:s4], [sflag:$0x2], $0x1900, $0x38;
	[tilespmem:$0x19B90] =	vst v63  }
0x3f: {  	_ =	swait.ge [sflag:s3], $0x1900  }
0x40: {  	[sflag:s3] =	ssyncset.done $0x0  }
0x41: {  	[sflag:s3] =	ssyncadd.s32 $0xFFFFE700  }
0x42: {  	[spmem:s29] =	stream.linear.scatter [tilespmem:s4], [sflag:$0x2], $0x1900, $0x38;
	[tilespmem:$0x19B90] =	vst v63  }
0x43: {  	_ =	swait.ge [sflag:s3], $0x1900  }
0x44: {  	[sflag:s3] =	ssyncset.done $0x0  }
0x45: {  	[sflag:s3] =	ssyncadd.s32 $0xFFFFE700  }
0x46: {  	[spmem:s31] =	stream.linear.scatter [tilespmem:s4], [sflag:$0x2], $0x1900, $0x38;
	[tilespmem:$0x19B90] =	vst v63  }
0x47: {  	_ =	swait.ge [sflag:s3], $0x1900  }
0x48: {  	[sflag:s3] =	ssyncset.done $0x0  }
0x49: {  	s29 =	rddreg [dreg:$0x13];
	[sflag:s3] =	ssyncadd.s32 $0xFFFFE700  }
0x4a: {  	[spmem:s29] =	stream.linear.scatter [tilespmem:s4], [sflag:$0x2], $0x1900, $0x38;
	[tilespmem:$0x19B90] =	vst v63  }
0x4b: {  	_ =	swait.ge [sflag:s3], $0x1900  }
0x4c: {  	[sflag:s3] =	ssyncset.done $0x0  }
0x4d: {  	s31 =	rddreg [dreg:$0x14];
	[sflag:s3] =	ssyncadd.s32 $0xFFFFE700  }
0x4e: {  	[spmem:s31] =	stream.linear.scatter [tilespmem:s4], [sflag:$0x2], $0x1900, $0x38;
	[tilespmem:$0x19B90] =	vst v63  }
0x4f: {  	_ =	swait.ge [sflag:s3], $0x1900  }
0x50: {  	[sflag:s3] =	ssyncset.done $0x0  }
0x51: {  	s2 =	simm.s32 @!p0 $0xBF40;
	s4 =	rddreg [dreg:$0x15];
	[sflag:s3] =	ssyncadd.s32 $0xFFFFE700  }
0x52: {  	[spmem:s4] =	stream.linear.scatter @!p0 [tilespmem:s2], [sflag:$0x2], $0x1900, $0x38;
	[tilespmem:$0x19B90] =	vst v63  }
0x53: {  	s2 =	simm.s32 @!p0 $0x2  }
0x54: {  	_ =	swait.ge @!p0 [sflag:s2], $0x1900  }
0x55: {  	[sflag:s2] =	ssyncset.done @!p0 $0x0  }
0x56: {  	s4 =	simm.s32 $0x40;
	[sflag:s2] =	ssyncadd.s32 @!p0 $0xFFFFE700;
	s2 =	simm.s32 $0x240  }
.LBB2_4:
0x57: {  	p1 =	sne.s32 s2, $0x63C0;
	[tilespmem:s4+$0x8D40] =	vst v2;
	s8 =	smov.u32 s2;
	s2 =	sadd.s32 $0x140, s2  }
.Ltmp1:
0x58: {  	[tilespmem:s4+$0xA640] =	vst v2;
	(pc) =	sbr.rel @p1 .LBB2_4-.Ltmp1, $2  }
0x59: {  	_ =	sdelay $0x2  }
0x5a: {  	s4 =	sshra.s32 s8, $0x2  }
0x5b: {  	[tilespmem:s4+$0x8D40] =	vst v2  }
0x5c: {  	[tilespmem:s4+$0xA640] =	vst v2  }
0x5d: {  	s31 =	simm.s32 $0x0;
	[bflag:$0x0] =	sbarrier.arrive $0xFFFF  }
.LBB2_6:
0x5e: {  	s2 =	smul.u32 $0x50, s31;
	_ =	sdelay $0x1  }
0x5f: {  	s2 =	sadd.s32 s30, s2  }
0x60: {  	s4 =	sshrl.u32 s2, $0x3  }
0x61: {  	s8 =	sadd.s32 s15, s4  }
0x62: {  	[tilespmem:s6], [sflag:$0x2] =	stream.linear.gather [hbm4b:s8+s6], $0x50, $0x38;
	[tilespmem:$0x19B90] =	vst v63  }
0x63: {  	_ =	swait.ge [sflag:s3], $0x50  }
0x64: {  	[sflag:s3] =	ssyncset.done $0x0  }
0x65: {  	s4 =	sadd.s32 s16, s4;
	[sflag:s3] =	ssyncadd.s32 $0xFFFFFFB0  }
0x66: {  	[tilespmem:s0], [sflag:$0x2] =	stream.linear.gather [hbm4b:s4+s6], $0x50, $0x38;
	[tilespmem:$0x19B90] =	vst v63  }
0x67: {  	_ =	swait.ge [sflag:s3], $0x50  }
0x68: {  	[sflag:s3] =	ssyncset.done $0x0  }
0x69: {  	[sflag:s3] =	ssyncadd.s32 $0xFFFFFFB0  }
0x6a: {  	v3 =	vld [tilespmem:$0x0]  }
0x6b: {  	v4 =	vld [tilespmem:$0x50]  }
0x6c: {  	v5 =	vld [tilespmem:$0x10]  }
0x6d: {  	v6 =	vld [tilespmem:$0x60]  }
0x6e: {  	v7 =	vld [tilespmem:$0x20]  }
0x6f: {  	v8 =	vld [tilespmem:$0x70];
	v3 =	vadd.s32 v1, v3  }
0x70: {  	[tilespmem:$0xA0] =	vst v3;
	v3 =	vadd.s32 v1, v4;
	v4 =	vld [tilespmem:$0x30]  }
0x71: {  	[tilespmem:$0xF0] =	vst v3;
	v3 =	vadd.s32 v1, v5;
	v5 =	vld [tilespmem:$0x80]  }
0x72: {  	[tilespmem:$0xB0] =	vst v3;
	v3 =	vadd.s32 v1, v6;
	v6 =	vld [tilespmem:$0x40]  }
0x73: {  	[tilespmem:$0x100] =	vst v3;
	v3 =	vadd.s32 v1, v7;
	v7 =	vld [tilespmem:$0x90]  }
0x74: {  	[tilespmem:$0xC0] =	vst v3;
	v3 =	vadd.s32 v1, v8  }
0x75: {  	[tilespmem:$0x110] =	vst v3;
	v3 =	vadd.s32 v1, v4  }
0x76: {  	[tilespmem:$0xD0] =	vst v3;
	v3 =	vadd.s32 v1, v5  }
0x77: {  	[tilespmem:$0x120] =	vst v3;
	v3 =	vadd.s32 v1, v6  }
0x78: {  	[tilespmem:$0xE0] =	vst v3;
	v3 =	vadd.s32 v1, v7  }
0x79: {  	s11 =	simm.s32 $0x140;
	[tilespmem:$0x130] =	vst v3  }
0x7a: {  	[tilespmem:s11], [sflag:$0x1] =	stream.indirect.gather [hbm4b:s1+s0], $0x40, s7, s0, $0xb8;
	[tilespmem:$0x19B90] =	vst v63  }
0x7b: {  	s12 =	simm.s32 $0x1540  }
0x7c: {  	[tilespmem:s12], [sflag:$0x1] =	stream.indirect.gather [hbm4b:s1+s0], $0x40, s9, s0, $0xb8;
	[tilespmem:$0x19B90] =	vst v63  }
0x7d: {  	s24 =	simm.s32 $0x2940;
	s2 =	sshll.u32 s2, $0x4  }
0x7e: {  	[tilespmem:s24], [sflag:$0x1] =	stream.indirect.gather [hbm4b:s17+s0], $0x40, s7, s0, $0xb8;
	[tilespmem:$0x19B90] =	vst v63  }
0x7f: {  	s25 =	simm.s32 $0x3D40;
	s24 =	sor.u32 s28, s2  }
0x80: {  	[tilespmem:s25], [sflag:$0x1] =	stream.indirect.gather [hbm4b:s17+s0], $0x40, s9, s0, $0xb8;
	[tilespmem:$0x19B90] =	vst v63  }
0x81: {  	s26 =	simm.s32 $0x5140;
	s29 =	rddreg [dreg:$0x2];
	s2 =	sadd.s32 s18, s24  }
0x82: {  	[tilespmem:s26], [sflag:$0x1] =	stream.strided.gather [hbm4b:s2+s13], $0x1400, s14, s13, $0x38;
	[tilespmem:$0x19B90] =	vst v63  }
0x83: {  	s2 =	sadd.s32 s29, s24  }
0x84: {  	[tilespmem:s19], [sflag:$0x1] =	stream.strided.gather [hbm4b:s2+s13], $0x1400, s14, s13, $0x38;
	[tilespmem:$0x19B90] =	vst v63  }
0x85: {  	_ =	swait.ge [sflag:s20], $0x1400  }
0x86: {  	[sflag:s20] =	ssyncset.done $0x0  }
0x87: {  	[sflag:s20] =	ssyncadd.s32 $0xFFFFEC00  }
0x88: {  	_ =	swait.ge [sflag:s20], $0x1400  }
0x89: {  	[sflag:s20] =	ssyncset.done $0x0  }
0x8a: {  	[sflag:s20] =	ssyncadd.s32 $0xFFFFEC00  }
0x8b: {  	_ =	swait.ge [sflag:s20], $0x1400  }
0x8c: {  	[sflag:s20] =	ssyncset.done $0x0  }
0x8d: {  	[sflag:s20] =	ssyncadd.s32 $0xFFFFEC00  }
0x8e: {  	_ =	swait.ge [sflag:s20], $0x1400  }
0x8f: {  	[sflag:s20] =	ssyncset.done $0x0  }
0x90: {  	[sflag:s20] =	ssyncadd.s32 $0xFFFFEC00  }
0x91: {  	_ =	swait.ge [sflag:s20], $0x1400  }
0x92: {  	[sflag:s20] =	ssyncset.done $0x0  }
0x93: {  	[sflag:s20] =	ssyncadd.s32 $0xFFFFEC00  }
0x94: {  	_ =	swait.ge [sflag:s20], $0x1400  }
0x95: {  	[sflag:s20] =	ssyncset.done $0x0  }
0x96: {  	s25 =	simm.s32 $0x30;
	[sflag:s20] =	ssyncadd.s32 $0xFFFFEC00  }
0x97: {  	v3 =	vld [tilespmem:s25+$0x2910]  }
0x98: {  	v4 =	vld [tilespmem:s25+$0x3D10]  }
0x99: {  	v5 =	vld [tilespmem:s25+$0x110]  }
0x9a: {  	v6 =	vld [tilespmem:s25+$0x1510]  }
0x9b: {  	v7 =	vld [tilespmem:s25+$0x5110];
	_ =	sdelay $0x2  }
0x9c: {  	v4 =	vadd.f32 v4, v5  }
0x9d: {  	v3 =	vadd.f32 v3, v6  }
0x9e: {  	v4 =	vadd.f32 v4, v7  }
0x9f: {  	s8 =	simm.s32 $0x8D60;
	v3 =	vadd.f32 v3, v7  }
0xa0: {  	s10 =	simm.s32 $0xA660;
	[tilespmem:s8+$0xFFFFFFE0] =	vst v4  }
0xa1: {  	[tilespmem:s10+$0xFFFFFFE0] =	vst v3  }
0xa2: {  	v5 =	vld [tilespmem:s25+$0x1520]  }
0xa3: {  	v6 =	vld [tilespmem:s25+$0x2920]  }
0xa4: {  	v7 =	vld [tilespmem:s25+$0x120]  }
0xa5: {  	v59 =	vld [tilespmem:s25+$0x3D20]  }
0xa6: {  	v9 =	vld [tilespmem:s25+$0x6510]  }
0xa7: {  	v3 =	vadd.f32 v3, v4;
	v4 =	vld [tilespmem:s25+$0x5120];
	_ =	sdelay $0x1  }
0xa8: {  	v3 =	vmul.f32 $5.000000000e-01, v3  }
0xa9: {  	v7 =	vadd.f32 v59, v7  }
0xaa: {  	v5 =	vadd.f32 v6, v5;
	v3 =	vadd.f32 v3, v9  }
0xab: {  	v6 =	vadd.f32 v7, v4  }
0xac: {  	v4 =	vadd.f32 v5, v4;
	[tilespmem:s25+$0x7910] =	vst v3  }
0xad: {  	[tilespmem:s8+$0xFFFFFFF0] =	vst v6  }
0xae: {  	[tilespmem:s10+$0xFFFFFFF0] =	vst v4  }
0xaf: {  	v3 =	vld [tilespmem:s25+$0x1530]  }
0xb0: {  	v5 =	vld [tilespmem:s25+$0x2930]  }
0xb1: {  	v7 =	vld [tilespmem:s25+$0x3D30]  }
0xb2: {  	v60 =	vld [tilespmem:s25+$0x130]  }
0xb3: {  	v61 =	vld [tilespmem:s25+$0x6520]  }
0xb4: {  	v4 =	vadd.f32 v4, v6;
	v6 =	vld [tilespmem:s25+$0x5130];
	_ =	sdelay $0x1  }
0xb5: {  	v4 =	vmul.f32 $5.000000000e-01, v4  }
0xb6: {  	v7 =	vadd.f32 v7, v60  }
0xb7: {  	v4 =	vadd.f32 v4, v61;
	v3 =	vadd.f32 v5, v3  }
0xb8: {  	v5 =	vadd.f32 v7, v6  }
0xb9: {  	[tilespmem:s25+$0x7920] =	vst v4;
	v3 =	vadd.f32 v3, v6  }
0xba: {  	[tilespmem:s8+$0x0] =	vst v5  }
0xbb: {  	[tilespmem:s10+$0x0] =	vst v3  }
0xbc: {  	v4 =	vld [tilespmem:s25+$0x3D40]  }
0xbd: {  	v6 =	vld [tilespmem:s25+$0x6530]  }
0xbe: {  	v7 =	vld [tilespmem:s25+$0x2940]  }
0xbf: {  	v62 =	vld [tilespmem:s25+$0x140]  }
0xc0: {  	v3 =	vadd.f32 v3, v5;
	v5 =	vld [tilespmem:s25+$0x1540];
	_ =	sdelay $0x1  }
0xc1: {  	v63 =	vld [tilespmem:s25+$0x5140];
	v3 =	vmul.f32 $5.000000000e-01, v3;
	_ =	sdelay $0x1  }
0xc2: {  	v3 =	vadd.f32 v3, v6  }
0xc3: {  	v4 =	vadd.f32 v4, v62;
	v5 =	vadd.f32 v7, v5  }
0xc4: {  	s4 =	simm.s32 $0xA6B0;
	s11 =	simm.s32 $0xA6B0  }
0xc5: {  	s12 =	simm.s32 $0x2C0;
	s26 =	simm.s32 $0x70;
	s2 =	simm.s32 $0x8DB0;
	[tilespmem:s25+$0x7930] =	vst v3;
	v3 =	vadd.f32 v4, v63;
	v4 =	vadd.f32 v5, v63  }
.LBB2_7:
0xc6: {  	p1 =	sne.s32 s12, $0x4FC0;
	s11 =	sadd.s32 $0x50, s11  }
0xc7: {  	[tilespmem:s8+$0x10] =	vst v3;
	s8 =	smov.u32 s2;
	s2 =	sadd.s32 $0x50, s2;
	s29 =	smov.u32 s12  }
0xc8: {  	s12 =	sadd.s32 $0x100, s12;
	[tilespmem:s10+$0x10] =	vst v4;
	v3 =	vadd.f32 v4, v3;
	s10 =	smov.u32 s4;
	s4 =	smov.u32 s11  }
0xc9: {  	v4 =	vld [tilespmem:s25+$0x6540]  }
0xca: {  	v5 =	vld [tilespmem:s26+$0x2910]  }
0xcb: {  	v6 =	vld [tilespmem:s26+$0x3D10]  }
0xcc: {  	s29 =	sshra.s32 s29, $0x2;
	v3 =	vmul.f32 $5.000000000e-01, v3;
	v7 =	vld [tilespmem:s26+$0x110]  }
0xcd: {  	v8 =	vld [tilespmem:s26+$0x1510]  }
0xce: {  	v9 =	vld [tilespmem:s26+$0x5110];
	v3 =	vadd.f32 v3, v4;
	_ =	sdelay $0x1  }
0xcf: {  	[tilespmem:s25+$0x7940] =	vst v3;
	s25 =	smov.u32 s26;
	s26 =	smov.u32 s29  }
0xd0: {  	v3 =	vadd.f32 v6, v7  }
0xd1: {  	v4 =	vadd.f32 v5, v8  }
0xd2: {  	v3 =	vadd.f32 v3, v9  }
0xd3: {  	v4 =	vadd.f32 v4, v9  }
0xd4: {  	[tilespmem:s8+$0xFFFFFFE0] =	vst v3  }
0xd5: {  	[tilespmem:s10+$0xFFFFFFE0] =	vst v4;
	v3 =	vadd.f32 v4, v3  }
0xd6: {  	v4 =	vld [tilespmem:s25+$0x1520]  }
0xd7: {  	v5 =	vld [tilespmem:s25+$0x2920]  }
0xd8: {  	v6 =	vld [tilespmem:s25+$0x120]  }
0xd9: {  	v7 =	vld [tilespmem:s25+$0x3D20]  }
0xda: {  	v8 =	vld [tilespmem:s25+$0x6510]  }
0xdb: {  	v9 =	vld [tilespmem:s25+$0x5120]  }
0xdc: {  	v4 =	vadd.f32 v5, v4  }
0xdd: {  	v3 =	vmul.f32 $5.000000000e-01, v3  }
0xde: {  	v5 =	vadd.f32 v7, v6  }
0xdf: {  	v3 =	vadd.f32 v3, v8  }
0xe0: {  	v5 =	vadd.f32 v5, v9;
	v4 =	vadd.f32 v4, v9  }
0xe1: {  	[tilespmem:s25+$0x7910] =	vst v3  }
0xe2: {  	[tilespmem:s8+$0xFFFFFFF0] =	vst v5;
	v3 =	vadd.f32 v4, v5  }
0xe3: {  	[tilespmem:s10+$0xFFFFFFF0] =	vst v4  }
0xe4: {  	v4 =	vld [tilespmem:s25+$0x1530]  }
0xe5: {  	v5 =	vld [tilespmem:s25+$0x2930]  }
0xe6: {  	v6 =	vld [tilespmem:s25+$0x3D30]  }
0xe7: {  	v3 =	vmul.f32 $5.000000000e-01, v3;
	v7 =	vld [tilespmem:s25+$0x6520]  }
0xe8: {  	v8 =	vld [tilespmem:s25+$0x130]  }
0xe9: {  	v9 =	vld [tilespmem:s25+$0x5130];
	_ =	sdelay $0x2  }
0xea: {  	v4 =	vadd.f32 v5, v4;
	v3 =	vadd.f32 v3, v7  }
0xeb: {  	v5 =	vadd.f32 v6, v8  }
0xec: {  	[tilespmem:s25+$0x7920] =	vst v3;
	v3 =	vadd.f32 v4, v9  }
0xed: {  	v4 =	vadd.f32 v5, v9;
	_ =	sdelay $0x1  }
0xee: {  	[tilespmem:s8+$0x0] =	vst v4;
	v4 =	vadd.f32 v3, v4  }
0xef: {  	[tilespmem:s10+$0x0] =	vst v3  }
0xf0: {  	v3 =	vld [tilespmem:s25+$0x3D40]  }
0xf1: {  	v5 =	vld [tilespmem:s25+$0x6530]  }
0xf2: {  	v6 =	vld [tilespmem:s25+$0x2940]  }
0xf3: {  	v7 =	vld [tilespmem:s25+$0x140]  }
0xf4: {  	v8 =	vld [tilespmem:s25+$0x1540]  }
0xf5: {  	v4 =	vmul.f32 $5.000000000e-01, v4;
	v9 =	vld [tilespmem:s25+$0x5140];
	_ =	sdelay $0x1  }
.Ltmp2:
0xf6: {  	v4 =	vadd.f32 v4, v5;
	(pc) =	sbr.rel @p1 .LBB2_7-.Ltmp2, $4  }
0xf7: {  	v3 =	vadd.f32 v3, v7  }
0xf8: {  	[tilespmem:s25+$0x7930] =	vst v4;
	v4 =	vadd.f32 v6, v8  }
0xf9: {  	v3 =	vadd.f32 v3, v9  }
0xfa: {  	v4 =	vadd.f32 v4, v9  }
0xfb: {  	[tilespmem:s8+$0x10] =	vst v3  }
0xfc: {  	[tilespmem:s10+$0x10] =	vst v4  }
0xfd: {  	v5 =	vld [tilespmem:s25+$0x6540]  }
0xfe: {  	v6 =	vld [tilespmem:s26+$0x2910]  }
0xff: {  	v7 =	vld [tilespmem:s26+$0x3D10]  }
0x100: {  	v8 =	vld [tilespmem:s26+$0x110]  }
0x101: {  	v9 =	vld [tilespmem:s26+$0x1510]  }
0x102: {  	v3 =	vadd.f32 v4, v3;
	v40 =	vld [tilespmem:s26+$0x5110];
	_ =	sdelay $0x1  }
0x103: {  	v3 =	vmul.f32 $5.000000000e-01, v3  }
0x104: {  	v7 =	vadd.f32 v7, v8  }
0x105: {  	v3 =	vadd.f32 v3, v5;
	v41 =	vadd.f32 v6, v9  }
0x106: {  	v42 =	vadd.f32 v7, v40  }
0x107: {  	[tilespmem:s25+$0x7940] =	vst v3;
	v3 =	vadd.f32 v41, v40  }
0x108: {  	[tilespmem:s2+$0xFFFFFFE0] =	vst v42  }
0x109: {  	[tilespmem:s4+$0xFFFFFFE0] =	vst v3  }
0x10a: {  	v43 =	vld [tilespmem:s26+$0x1520]  }
0x10b: {  	v44 =	vld [tilespmem:s26+$0x2920]  }
0x10c: {  	v45 =	vld [tilespmem:s26+$0x120]  }
0x10d: {  	v46 =	vld [tilespmem:s26+$0x3D20]  }
0x10e: {  	v47 =	vld [tilespmem:s26+$0x6510]  }
0x10f: {  	v3 =	vadd.f32 v3, v42;
	v48 =	vld [tilespmem:s26+$0x5120];
	_ =	sdelay $0x1  }
0x110: {  	v3 =	vmul.f32 $5.000000000e-01, v3  }
0x111: {  	v7 =	vadd.f32 v46, v45  }
0x112: {  	v4 =	vadd.f32 v44, v43;
	v3 =	vadd.f32 v3, v47  }
0x113: {  	v49 =	vadd.f32 v7, v48  }
0x114: {  	v4 =	vadd.f32 v4, v48;
	[tilespmem:s26+$0x7910] =	vst v3  }
0x115: {  	[tilespmem:s2+$0xFFFFFFF0] =	vst v49  }
0x116: {  	[tilespmem:s4+$0xFFFFFFF0] =	vst v4  }
0x117: {  	v3 =	vld [tilespmem:s26+$0x1530]  }
0x118: {  	v50 =	vld [tilespmem:s26+$0x2930]  }
0x119: {  	v51 =	vld [tilespmem:s26+$0x3D30]  }
0x11a: {  	v52 =	vld [tilespmem:s26+$0x130]  }
0x11b: {  	v53 =	vld [tilespmem:s26+$0x6520]  }
0x11c: {  	v4 =	vadd.f32 v4, v49;
	v54 =	vld [tilespmem:s26+$0x5130];
	_ =	sdelay $0x1  }
0x11d: {  	v4 =	vmul.f32 $5.000000000e-01, v4  }
0x11e: {  	v7 =	vadd.f32 v51, v52  }
0x11f: {  	v4 =	vadd.f32 v4, v53;
	v3 =	vadd.f32 v50, v3  }
0x120: {  	v55 =	vadd.f32 v7, v54  }
0x121: {  	[tilespmem:s26+$0x7920] =	vst v4;
	v3 =	vadd.f32 v3, v54  }
0x122: {  	[tilespmem:s2+$0x0] =	vst v55  }
0x123: {  	[tilespmem:s4+$0x0] =	vst v3  }
0x124: {  	v56 =	vld [tilespmem:s26+$0x3D40]  }
0x125: {  	v57 =	vld [tilespmem:s26+$0x6530]  }
0x126: {  	v58 =	vld [tilespmem:s26+$0x2940]  }
0x127: {  	v59 =	vld [tilespmem:s26+$0x140]  }
0x128: {  	v60 =	vld [tilespmem:s26+$0x1540]  }
0x129: {  	v3 =	vadd.f32 v3, v55;
	v61 =	vld [tilespmem:s26+$0x5140];
	_ =	sdelay $0x1  }
0x12a: {  	v3 =	vmul.f32 $5.000000000e-01, v3  }
0x12b: {  	v4 =	vadd.f32 v56, v59  }
0x12c: {  	v3 =	vadd.f32 v3, v57;
	v62 =	vadd.f32 v58, v60  }
0x12d: {  	v4 =	vadd.f32 v4, v61  }
0x12e: {  	[tilespmem:s26+$0x7930] =	vst v3;
	v3 =	vadd.f32 v62, v61  }
0x12f: {  	[tilespmem:s2+$0x10] =	vst v4  }
0x130: {  	[tilespmem:s4+$0x10] =	vst v3  }
0x131: {  	v63 =	vld [tilespmem:s26+$0x6540]  }
0x132: {  	v3 =	vadd.f32 v3, v4;
	_ =	sdelay $0x1  }
0x133: {  	v3 =	vmul.f32 $5.000000000e-01, v3;
	_ =	sdelay $0x1  }
0x134: {  	v3 =	vadd.f32 v3, v63;
	_ =	sdelay $0x1  }
0x135: {  	[tilespmem:s26+$0x7940] =	vst v3  }
0x136: {  	[spmem:s5] =	stream.indirect.scatter.add.f32 [tilespmem:s21], [sflag:$0x2], $0x50, s0, s0, $0xb8;
	[tilespmem:$0x19B90] =	vst v63  }
0x137: {  	_ =	swait.ge [sflag:s3], $0x1900  }
0x138: {  	[sflag:s3] =	ssyncset.done $0x0  }
0x139: {  	[sflag:s3] =	ssyncadd.s32 $0xFFFFE700  }
0x13a: {  	[spmem:s5] =	stream.indirect.scatter.add.f32 [tilespmem:s22], [sflag:$0x2], $0x50, s6, s0, $0xb8;
	[tilespmem:$0x19B90] =	vst v63  }
0x13b: {  	_ =	swait.ge [sflag:s3], $0x1900  }
0x13c: {  	[sflag:s3] =	ssyncset.done $0x0  }
0x13d: {  	s31 =	sadd.s32 $0x1, s31;
	[sflag:s3] =	ssyncadd.s32 $0xFFFFE700  }
0x13e: {  	p1 =	sne.s32 s31, $0xFA;
	s29 =	rddreg [dreg:$0x3]  }
.Ltmp3:
0x13f: {  	s2 =	sadd.s32 s29, s24;
	(pc) =	sbr.rel @p1 .LBB2_6-.Ltmp3, $4  }
0x140: {  	[hbm4b:s2+s13] =	stream.strided.scatter [tilespmem:s23], [sflag:$0x2], $0x1400, s14, s13, $0x38;
	[tilespmem:$0x19B90] =	vst v63  }
0x141: {  	_ =	swait.ge [sflag:s3], $0x1400  }
0x142: {  	[sflag:s3] =	ssyncset.done $0x0  }
0x143: {  	[sflag:s3] =	ssyncadd.s32 $0xFFFFEC00  }
0x144: {  	s2 =	stileid.u32;
	[bflag:$0x0] =	sbarrier.arrive $0xFFFF;
	s10 =	simm.s32 $0x10  }
0x145: {  	s11 =	simm.s32 $0xA;
	s2 =	sshll.u32 s2, $0x6;
	s24 =	rddreg [dreg:$0xe]  }
0x146: {  	s8 =	rddreg [dreg:$0x6];
	s2 =	sor.u32 $0x1C02, s2;
	s4 =	sshrl.u32 s24, $0x3  }
0x147: {  	[hbm:s8@s10], [sflag:s2] =	dma.strided [spmem:s4@s11], $0x320, s20, $0xa   }
0x148: {  	_ =	swait.ge [sflag:s3], $0x320  }
0x149: {  	[sflag:s3] =	ssyncset.done $0x0;
	s25 =	rddreg [dreg:$0xf]  }
0x14a: {  	s26 =	rddreg [dreg:$0x7];
	[sflag:s3] =	ssyncadd.s32 $0xFFFFFCE0;
	s12 =	sshrl.u32 s25, $0x3  }
0x14b: {  	[hbm:s26@s10], [sflag:s2] =	dma.strided [spmem:s12@s11], $0x320, s20, $0xa   }
0x14c: {  	_ =	swait.ge [sflag:s3], $0x320  }
0x14d: {  	[sflag:s3] =	ssyncset.done $0x0;
	s26 =	rddreg [dreg:$0x10]  }
0x14e: {  	s12 =	rddreg [dreg:$0x8];
	[sflag:s3] =	ssyncadd.s32 $0xFFFFFCE0;
	s8 =	sshrl.u32 s26, $0x3  }
0x14f: {  	[hbm:s12@s10], [sflag:s2] =	dma.strided [spmem:s8@s11], $0x320, s20, $0xa   }
0x150: {  	_ =	swait.ge [sflag:s3], $0x320  }
0x151: {  	[sflag:s3] =	ssyncset.done $0x0;
	s29 =	rddreg [dreg:$0x11]  }
0x152: {  	s12 =	rddreg [dreg:$0x9];
	[sflag:s3] =	ssyncadd.s32 $0xFFFFFCE0;
	s8 =	sshrl.u32 s29, $0x3  }
0x153: {  	[hbm:s12@s10], [sflag:s2] =	dma.strided [spmem:s8@s11], $0x320, s20, $0xa   }
0x154: {  	_ =	swait.ge [sflag:s3], $0x320  }
0x155: {  	[sflag:s3] =	ssyncset.done $0x0;
	s31 =	rddreg [dreg:$0x12]  }
0x156: {  	s12 =	rddreg [dreg:$0xa];
	[sflag:s3] =	ssyncadd.s32 $0xFFFFFCE0;
	s8 =	sshrl.u32 s31, $0x3  }
0x157: {  	[hbm:s12@s10], [sflag:s2] =	dma.strided [spmem:s8@s11], $0x320, s20, $0xa   }
0x158: {  	_ =	swait.ge [sflag:s3], $0x320  }
0x159: {  	[sflag:s3] =	ssyncset.done $0x0;
	s8 =	rddreg [dreg:$0x13]  }
0x15a: {  	s12 =	rddreg [dreg:$0xb];
	[sflag:s3] =	ssyncadd.s32 $0xFFFFFCE0;
	s4 =	sshrl.u32 s8, $0x3  }
0x15b: {  	[hbm:s12@s10], [sflag:s2] =	dma.strided [spmem:s4@s11], $0x320, s20, $0xa   }
0x15c: {  	_ =	swait.ge [sflag:s3], $0x320  }
0x15d: {  	[sflag:s3] =	ssyncset.done $0x0;
	s8 =	rddreg [dreg:$0x14]  }
0x15e: {  	s12 =	rddreg [dreg:$0xc];
	[sflag:s3] =	ssyncadd.s32 $0xFFFFFCE0;
	s4 =	sshrl.u32 s8, $0x3  }
0x15f: {  	[hbm:s12@s10], [sflag:s2] =	dma.strided [spmem:s4@s11], $0x320, s20, $0xa   }
0x160: {  	s8 =	simm.s32 @!p0 $0x1;
	s10 =	simm.s32 @!p0 $0x10;
	_ =	swait.ge [sflag:s3], $0x320  }
0x161: {  	s11 =	simm.s32 @!p0 $0xA;
	[sflag:s3] =	ssyncset.done $0x0;
	s4 =	rddreg [dreg:$0x15]  }
0x162: {  	s12 =	rddreg [dreg:$0xd];
	[sflag:s3] =	ssyncadd.s32 $0xFFFFFCE0;
	s4 =	sshrl.u32 @!p0 s4, $0x3  }
0x163: {  	[hbm:s12@s10], [sflag:s2] =	dma.strided @!p0 [spmem:s4@s11], $0x320, s8, $0xa   }
0x164: {  	s2 =	simm.s32 @!p0 $0x2  }
0x165: {  	_ =	swait.ge @!p0 [sflag:s2], $0x320  }
0x166: {  	s11 =	rddreg [dreg:$0x17]  }
0x167: {  	s12 =	rddreg [dreg:$0x16];
	s8 =	sadd.s32 $0x1, s11  }
0x168: {  	p1 =	sne.s32 s8, s12  }
.Ltmp4:
0x169: {  	_ = 	snop;
	(pc) =	sbr.rel @p1 .LBB2_1-.Ltmp4, $3  }
0x16a: {  	_ =	sdelay $0x1  }
0x16b: {  	[sflag:s2] =	ssyncset.done @!p0 $0x0  }
0x16c: {  	[sflag:s2] =	ssyncadd.s32 @!p0 $0xFFFFFCE0  }
0x16d: {  	_ =	sfence.sel $0x180000  }
0x16e: {  	[bflag:$0x0] =	sbarrier.arrive $0xFFFF  }
0x16f: {  	_ =	strace $0x90000047  }
0x170: {  	s0 =	stileid.u32;
	[bflag:$0x2] =	sbarrier.arrive $0xFFFF  }
0x171: {  	p0 =	sne.s32 s0, $0x0;
	s0 =	rddreg [dreg:$0x5]  }
0x172: {  	s0 =	sadd.s32 @!p0 $0x100000, s0  }
0x173: {  	[sflag:s0] =	ssyncadd.tile.s32 @!p0 $0x1;
	_ =	shalt  }
.Lfunc_end2:
_tile_overlayer_lowered:
.L_overlay_start_2:
0x174: {  	(tag) =	ssettag $0x2  }
0x175: {  	s0 =	rddreg [dreg:$0x0];
	s2 =	stileid.u32  }
0x176: {  	s1 =	rddreg [dreg:$0x1];
	p0 =	sne.s32 s2, $0x0  }
0x177: {  	s3 =	rddreg [dreg:$0x2];
	[bflag:$0x3] =	sbarrier.arrive $0xFFFF;
	s2 =	simm.s32 @!p0 $0x1C02  }
0x178: {  	[timem:s3], [sflag:s2] =	dma.local @!p0 [hbm:s0], s1  }
0x179: {  	s0 =	simm.s32 @!p0 $0x2  }
0x17a: {  	_ =	swait.ge @!p0 [sflag:s0], s1  }
0x17b: {  	s1 =	ssub.s32 @!p0 $0x0, s1;
	[sflag:s0] =	ssyncset.done @!p0 $0x0  }
0x17c: {  	[sflag:s0] =	ssyncadd.s32 @!p0 s1  }
0x17d: {  	[bflag:$0x3] =	sbarrier.arrive $0xFFFF  }
0x17e: {  	_ =	shalt  }

</sc_bundles>
